<compile_context>
chip_gen: v7x
topology: tpu7x:2x2x1
jax: 0.10.2.dev20260603
libtpu: 0.0.44.dev20260713+nightly
codegen_flags: <defaults>
</compile_context>

<pallas_src>
import functools

import jax
import jax.numpy as jnp
from jax import lax
from jax.experimental import pallas as pl
from jax.experimental.pallas import tpu as pltpu
from jax.experimental.pallas import tpu_sc as plsc

F32 = jnp.float32
CH = 125
KG = 4


def _relu(t):
    return jnp.maximum(t, 0.0)


def _mm(a, b):
    return jnp.dot(a, b, preferred_element_type=F32)



def _sc_mesh():
    return plsc.VectorSubcoreMesh(core_axis_name="c", subcore_axis_name="s")


@functools.partial(jax.jit, static_argnums=())
def _sc_gather_pair(table, idx_row, idx_col):
    n, d = table.shape
    e = idx_row.shape[0]
    info = plsc.get_sparse_core_info()
    nc, ns = info.num_cores, info.num_subcores
    nw = nc * ns
    ch = CH
    pw = e // (nw * ch)
    ng = pw // KG
    grp = KG * ch
    idx_row3 = idx_row.reshape(nw, pw, ch)
    idx_col3 = idx_col.reshape(nw, pw, ch)

    @functools.partial(
        pl.kernel,
        out_type=jax.ShapeDtypeStruct((e, 2 * d), F32),
        mesh=_sc_mesh(),
        scratch_types=[
            pltpu.VMEM((pw, ch), jnp.int32),
            pltpu.VMEM((2, grp, d), F32),
            pltpu.SemaphoreType.DMA,
            pltpu.SemaphoreType.DMA((2,)),
        ],
        compiler_params=pltpu.CompilerParams(use_tc_tiling_on_sc=False),
    )
    def k(table_h, ir_h, ic_h, out_h, idx_v, buf_v, gsem, osem):
        cid = lax.axis_index("c")
        sid = lax.axis_index("s")
        wid = sid * nc + cid
        rbase = wid * pw * ch

        def run(idx_h, c0):
            pltpu.sync_copy(idx_h.at[wid], idx_v)

            def dst(g):
                return out_h.at[pl.ds(rbase + g * grp, grp), pl.ds(c0, d)]

            def body(g, carry):
                par = lax.rem(g, 2)
                @pl.when(g >= 2)
                def _():
                    pltpu.make_async_copy(buf_v.at[par], dst(g),
                                          osem.at[par]).wait()

                for kk in range(KG):
                    pltpu.async_copy(
                        table_h.at[idx_v.at[g * KG + kk]],
                        buf_v.at[par, pl.ds(kk * ch, ch)], gsem)
                for kk in range(KG):
                    pltpu.make_async_copy(
                        table_h.at[idx_v.at[g * KG + kk]],
                        buf_v.at[par, pl.ds(kk * ch, ch)], gsem).wait()
                pltpu.async_copy(buf_v.at[par], dst(g), osem.at[par])
                return carry

            lax.fori_loop(0, ng, body, 0)
            for par in range(2):
                pltpu.make_async_copy(buf_v.at[par], dst(0),
                                      osem.at[par]).wait()

        run(ir_h, 0)
        run(ic_h, d)

    return k(table, idx_row3, idx_col3)


def _sc_scatter_add(vals, idx, zeros, c0):
    e = vals.shape[0]
    w = zeros.shape[1]
    n = zeros.shape[0]
    info = plsc.get_sparse_core_info()
    nc, ns = info.num_cores, info.num_subcores
    nw = nc * ns
    ch = CH
    pw = e // (nw * ch)
    ng = pw // KG
    grp = KG * ch
    idx3 = idx.reshape(nw, pw, ch)
    rows_per = (n // ns) // 8 * 8
    rows_last = n - rows_per * (ns - 1)

    @functools.partial(
        pl.kernel,
        out_type=jax.ShapeDtypeStruct((n, 128), F32),
        mesh=_sc_mesh(),
        scratch_types=[
            pltpu.VMEM((pw, ch), jnp.int32),
            pltpu.VMEM((2, grp, w), F32),
            pltpu.VMEM_SHARED((n, w), F32),
            pltpu.SemaphoreType.DMA((2,)),
            pltpu.SemaphoreType.DMA((2,)),
        ],
        compiler_params=pltpu.CompilerParams(use_tc_tiling_on_sc=False),
    )
    def k(vals_h, idx_h, zeros_h, p_h, idx_v, buf_v, acc, lsem, ssem):
        cid = lax.axis_index("c")
        sid = lax.axis_index("s")
        wid = sid * nc + cid
        rbase = wid * pw * ch

        pltpu.sync_copy(idx_h.at[wid], idx_v)

        def init_and_out(fn):
            @pl.when(sid < ns - 1)
            def _():
                fn(pl.ds(sid * rows_per, rows_per))

            @pl.when(sid == ns - 1)
            def _():
                fn(pl.ds((ns - 1) * rows_per, rows_last))

        init_and_out(lambda sl: pltpu.sync_copy(zeros_h.at[sl], acc.at[sl]))
        plsc.subcore_barrier()

        def load_grp(g, par):
            pltpu.async_copy(
                vals_h.at[pl.ds(rbase + g * grp, grp), pl.ds(c0, w)],
                buf_v.at[par], lsem.at[par])

        def drain_adds(g, par):
            for kk in range(KG):
                pltpu.make_async_copy(
                    buf_v.at[par, pl.ds(kk * ch, ch)],
                    acc.at[idx_v.at[g * KG + kk]], ssem.at[par]).wait()

        load_grp(0, 0)

        def body(g, carry):
            par = lax.rem(g, 2)
            pltpu.make_async_copy(
                vals_h.at[pl.ds(rbase + g * grp, grp), pl.ds(c0, w)],
                buf_v.at[par], lsem.at[par]).wait()

            @pl.when(g >= 1)
            def _():
                drain_adds(g - 1, 1 - par)

            @pl.when(g + 1 < ng)
            def _():
                load_grp(g + 1, 1 - par)

            for kk in range(KG):
                pltpu.async_copy(
                    buf_v.at[par, pl.ds(kk * ch, ch)],
                    acc.at[idx_v.at[g * KG + kk]], ssem.at[par], add=True)
            return carry

        lax.fori_loop(0, ng, body, 0)
        drain_adds(ng - 1, (ng - 1) % 2)
        plsc.subcore_barrier()

        init_and_out(lambda sl: pltpu.sync_copy(
            acc.at[sl], p_h.at[sl, pl.ds(cid * 64, w)]))

    return k(vals, idx3, zeros)



def _tc_embed(x, w, b):
    n, din = x.shape
    dout = w.shape[1]
    blk = n // 5

    def body(x_ref, w_ref, b_ref, o_ref):
        o_ref[...] = _mm(x_ref[...], w_ref[...]) + b_ref[...]

    return pl.pallas_call(
        body,
        grid=(n // blk,),
        in_specs=[
            pl.BlockSpec((blk, din), lambda i: (i, 0)),
            pl.BlockSpec((din, dout), lambda i: (0, 0)),
            pl.BlockSpec((1, dout), lambda i: (0, 0)),
        ],
        out_specs=pl.BlockSpec((blk, dout), lambda i: (i, 0)),
        out_shape=jax.ShapeDtypeStruct((n, dout), F32),
    )(x, w, b)


def _tc_addn(h, parts):
    n, d = h.shape
    blk = n // 5

    def body(*refs):
        h_b = refs[0][...]
        acc = h_b
        for r in refs[1:-1]:
            p = r[...]
            acc = acc + p[:, :d] + p[:, d:2 * d]
        refs[-1][...] = acc

    return pl.pallas_call(
        body,
        grid=(n // blk,),
        in_specs=[pl.BlockSpec((blk, d), lambda i: (i, 0))]
        + [pl.BlockSpec((blk, 128), lambda i: (i, 0))] * len(parts),
        out_specs=pl.BlockSpec((blk, d), lambda i: (i, 0)),
        out_shape=jax.ShapeDtypeStruct((n, d), F32),
    )(h, *parts)


def _tc_edge_mlp(ghh, e_in, ws, first, last, eoff=0):
    e_cnt = ghh.shape[0]
    blk = 2000
    grid = e_cnt // blk
    ein_w = e_in.shape[1]

    names = (["wee", "bee"] if first else []) + [
        "w1h", "w1e", "b1", "wn1", "bn1", "w2d", "w2u", "b2",
    ]
    warrs = [ws[nm] for nm in names]

    def body(g_ref, e_ref, *rest):
        wr = {nm: r[...] for nm, r in zip(names, rest[:len(names)])}
        out_ref = rest[len(names)]
        if first:
            e_b = _mm(e_ref[...], wr["wee"]) + wr["bee"]
        else:
            e_b = e_ref[:, 64:96]
        y = _relu(_mm(g_ref[...], wr["w1h"]) + _mm(e_b, wr["w1e"])
                  + wr["b1"])
        d2 = _relu(_mm(y[:, :64], wr["wn1"]) + wr["bn1"])
        o = _mm(d2, wr["w2d"]) + _mm(y[:, 64:128], wr["w2u"]) + wr["b2"]
        e_new = e_b + o[:, 64:96]
        cnt = jnp.full((blk, 1), 1.0 if last else 0.0, F32)
        out_ref[...] = jnp.concatenate(
            [o[:, :64], e_new, cnt, jnp.zeros((blk, 31), F32)], axis=1)

    eblk = eoff // blk
    in_specs = [
        pl.BlockSpec((blk, 128), lambda i: (i, 0)),
        pl.BlockSpec((blk, ein_w), lambda i: (i + eblk, 0)),
    ] + [pl.BlockSpec(w.shape, lambda i: (0, 0)) for w in warrs]

    return pl.pallas_call(
        body,
        grid=(grid,),
        in_specs=in_specs,
        out_specs=pl.BlockSpec((blk, 128), lambda i: (i, 0)),
        out_shape=jax.ShapeDtypeStruct((e_cnt, 128), F32),
    )(ghh, e_in, *warrs)


def _tc_pool_head(h, qs, ws):
    n = h.shape[0]
    blk = n // 5
    grid = n // blk
    names = ["wnp", "bnp", "wep", "bep", "wq", "bq", "query",
             "wk", "bk", "wv", "bv", "wo", "bo",
             "wh0", "bh0", "ln_g", "ln_b", "wh1", "bh1"]
    warrs = [ws[nm] for nm in names]

    heads, dh_ = 4, 64
    emb = heads * dh_

    nq = len(qs)

    def body(h_ref, *rest):
        q_refs = rest[:nq]
        wr = {nm: r[...] for nm, r in zip(names, rest[nq:nq + len(names)])}
        out_ref = rest[nq + len(names)]
        m_s, d_s, num_s = rest[nq + len(names) + 1:]
        i = pl.program_id(0)

        @pl.when(i == 0)
        def _():
            m_s[...] = jnp.full((1, heads), -1e30, F32)
            d_s[...] = jnp.zeros((1, heads), F32)
            num_s[...] = jnp.zeros((heads, emb), F32)

        seg = sum(q[...][:, :48] + q[...][:, 64:112] for q in q_refs)
        cnt = seg[:, 32:33]
        sums = _mm(seg[:, :32], wr["wep"]) + cnt * wr["bep"]
        hp = (_mm(h_ref[...], wr["wnp"]) + wr["bnp"]
              + sums / jnp.maximum(cnt, 1.0))
        kk = _mm(hp, wr["wk"]) + wr["bk"]
        vv = _mm(hp, wr["wv"]) + wr["bv"]

        q = _mm(wr["query"], wr["wq"]) + wr["bq"]
        colh = lax.broadcasted_iota(jnp.int32, (emb, heads), 0) // dh_
        rowh = lax.broadcasted_iota(jnp.int32, (emb, heads), 1)
        hsel = (colh == rowh).astype(F32)
        s = _mm(kk * q, hsel) * (1.0 / 8.0)

        m_prev = m_s[...]
        bm = jnp.max(s, axis=0, keepdims=True)
        m_new = jnp.maximum(m_prev, bm)
        corr = jnp.exp(m_prev - m_new)
        wgt = jnp.exp(s - m_new)
        d_s[...] = d_s[...] * corr + jnp.sum(wgt, axis=0, keepdims=True)
        num_s[...] = (num_s[...] * jnp.transpose(corr)
                      + lax.dot_general(wgt, vv, (((0,), (0,)), ((), ())),
                                        preferred_element_type=F32))
        m_s[...] = m_new

        @pl.when(i == grid - 1)
        def _():
            bd = jnp.transpose(hsel)
            o = jnp.sum(num_s[...] * bd, axis=0, keepdims=True)
            den = _mm(d_s[...], bd)
            o = o / den
            z = _relu(_mm(o, wr["wo"]) + wr["bo"])
            z = _relu(_mm(z, wr["wh0"]) + wr["bh0"])
            mu = jnp.mean(z, axis=-1, keepdims=True)
            var = jnp.mean((z - mu) ** 2, axis=-1, keepdims=True)
            zn = (z - mu) * lax.rsqrt(var + 1e-5)
            zn = zn * wr["ln_g"] + wr["ln_b"]
            out_ref[...] = _mm(zn, wr["wh1"]) + wr["bh1"]

    in_specs = [
        pl.BlockSpec((blk, 64), lambda i: (i, 0)),
    ] + [pl.BlockSpec((blk, 128), lambda i: (i, 0))] * nq + [
        pl.BlockSpec(w.shape, lambda i: (0, 0)) for w in warrs]

    return pl.pallas_call(
        body,
        grid=(grid,),
        in_specs=in_specs,
        out_specs=pl.BlockSpec((1, 1024), lambda i: (0, 0)),
        out_shape=jax.ShapeDtypeStruct((1, 1024), F32),
        scratch_shapes=[
            pltpu.VMEM((1, heads), F32),
            pltpu.VMEM((1, heads), F32),
            pltpu.VMEM((heads, emb), F32),
        ],
    )(h, *qs, *warrs)



def kernel(x, edge_attr, params, edge_index):
    n = x.shape[0]
    e_cnt = edge_attr.shape[0]

    row = edge_index[0]
    col = edge_index[1]
    zeros64 = jnp.zeros((n, 64), F32)
    zeros48 = jnp.zeros((n, 48), F32)

    h = _tc_embed(x, params["node_embed"]["W"],
                  params["node_embed"]["b"].reshape(1, -1))

    num_layers = len(params["layers"])
    nsplit = 4
    hh = e_cnt // nsplit
    parts = [(row[k * hh:(k + 1) * hh], col[k * hh:(k + 1) * hh])
             for k in range(nsplit)]
    e_curs = [edge_attr] * nsplit
    for li, lp in enumerate(params["layers"]):
        wn0, we0 = lp["nm0"]["W"], lp["em0"]["W"]
        w1h = jnp.concatenate([
            jnp.concatenate([wn0[0:64], we0[0:64]], axis=1),
            jnp.concatenate([jnp.zeros((64, 64), F32), we0[64:128]], axis=1),
        ], axis=0)
        w1e = jnp.concatenate([wn0[64:96], we0[128:160]], axis=1)
        b1 = jnp.concatenate([lp["nm0"]["b"], lp["em0"]["b"]]).reshape(1, -1)
        w2d = jnp.concatenate([lp["nm2"]["W"], jnp.zeros((128, 32), F32)],
                              axis=1)
        w2u = jnp.concatenate([jnp.zeros((64, 64), F32), lp["em1"]["W"]],
                              axis=1)
        b2 = jnp.concatenate([lp["nm2"]["b"], lp["em1"]["b"]]).reshape(1, -1)
        ws = {
            "w1h": w1h, "w1e": w1e, "b1": b1,
            "wn1": lp["nm1"]["W"], "bn1": lp["nm1"]["b"].reshape(1, -1),
            "w2d": w2d, "w2u": w2u, "b2": b2,
        }
        if li == 0:
            ws["wee"] = params["edge_embed"]["W"]
            ws["bee"] = params["edge_embed"]["b"].reshape(1, -1)
        gs = [_sc_gather_pair(h, r, c) for (r, c) in parts]
        e_curs = [_tc_edge_mlp(gs[k], e_curs[k], ws, first=(li == 0),
                               last=(li == num_layers - 1),
                               eoff=(k * hh if li == 0 else 0))
                  for k in range(nsplit)]
        partials = [_sc_scatter_add(e_curs[k], parts[k][0], zeros64, 0)
                    for k in range(nsplit)]
        h = _tc_addn(h, partials)

    qs = [_sc_scatter_add(e_curs[k], parts[k][0], zeros48, 64)
          for k in range(nsplit)]

    pw = params["pool"]
    hw = params["head"]
    pool_ws = {
        "wnp": pw["node_proj"]["W"], "bnp": pw["node_proj"]["b"].reshape(1, -1),
        "wep": pw["edge_proj"]["W"], "bep": pw["edge_proj"]["b"].reshape(1, -1),
        "wq": pw["Wq"]["W"], "bq": pw["Wq"]["b"].reshape(1, -1),
        "query": pw["query"],
        "wk": pw["Wk"]["W"], "bk": pw["Wk"]["b"].reshape(1, -1),
        "wv": pw["Wv"]["W"], "bv": pw["Wv"]["b"].reshape(1, -1),
        "wo": pw["Wo"]["W"], "bo": pw["Wo"]["b"].reshape(1, -1),
        "wh0": hw["h0"]["W"], "bh0": hw["h0"]["b"].reshape(1, -1),
        "ln_g": hw["ln_g"].reshape(1, -1), "ln_b": hw["ln_b"].reshape(1, -1),
        "wh1": hw["h1"]["W"], "bh1": hw["h1"]["b"].reshape(1, -1),
    }
    return _tc_pool_head(h, qs, pool_ws)

# --- scband reference (transcript-rebuilt; emitter-appended) ---
"""Pipeline reference for scband-gnnfingerprint3-d-70377334112807 (READ-ONLY COPY).

The authoritative reference and input builder live on the scoring server;
editing this copy changes nothing except your own understanding.
"""

import jax, jax.numpy as jnp
import numpy as np

N = 10000
E = 320000
NODE_IN = 128
EDGE_IN = 16
HID = 64
NUM_LAYERS = 6
OUT_DIM = 1024
EMB = 256
HEADS = 4


def _lin_params(key, din, dout):
    k1, k2 = jax.random.split(key)
    return {"W": jax.random.normal(k1, (din, dout), dtype=jnp.float32) / np.sqrt(din),
            "b": jax.random.normal(k2, (dout,), dtype=jnp.float32) * 0.01}


def _make_params(key):
    p = {}
    p["node_embed"] = _lin_params(jax.random.fold_in(key, 0), NODE_IN, 64)
    p["edge_embed"] = _lin_params(jax.random.fold_in(key, 1), EDGE_IN, 32)
    layers = []
    for i in range(NUM_LAYERS):
        ks = jax.random.split(jax.random.fold_in(key, 100 + i), 5)
        layers.append({
            "nm0": _lin_params(ks[0], 64 + 32, HID),
            "nm1": _lin_params(ks[1], HID, HID * 2),
            "nm2": _lin_params(ks[2], HID * 2, 64),
            "em0": _lin_params(ks[3], 2 * 64 + 32, HID),
            "em1": _lin_params(ks[4], HID, 32),
        })
    p["layers"] = layers
    pk = jax.random.split(jax.random.fold_in(key, 2), 7)
    p["pool"] = {
        "node_proj": _lin_params(pk[0], 64, EMB),
        "edge_proj": _lin_params(pk[1], 32, EMB),
        "Wq": _lin_params(pk[2], EMB, EMB),
        "Wk": _lin_params(pk[3], EMB, EMB),
        "Wv": _lin_params(pk[4], EMB, EMB),
        "Wo": _lin_params(pk[5], EMB, EMB),
        "query": jax.random.normal(pk[6], (1, EMB), dtype=jnp.float32),
    }
    hk = jax.random.split(jax.random.fold_in(key, 3), 2)
    p["head"] = {
        "h0": _lin_params(hk[0], EMB, HID),
        "ln_g": jnp.ones((HID,), dtype=jnp.float32),
        "ln_b": jnp.zeros((HID,), dtype=jnp.float32),
        "h1": _lin_params(hk[1], HID, OUT_DIM),
    }
    return p


def setup_inputs(seed: int = 0):
    key = jax.random.key(seed)
    x = jax.random.normal(jax.random.fold_in(key, 10), (N, NODE_IN), dtype=jnp.float32)
    edge_index = jax.random.randint(jax.random.fold_in(key, 11), (2, E), 0, N, dtype=jnp.int32)
    edge_attr = jax.random.normal(jax.random.fold_in(key, 12), (E, EDGE_IN), dtype=jnp.float32)
    params = _make_params(jax.random.fold_in(key, 13))
    return {"x": x, "edge_attr": edge_attr, "params": params, "edge_index": edge_index}


def _linear(p, t):
    return t @ p["W"] + p["b"]


def _forward(x, edge_attr, params, edge_index):
    row = edge_index[0]
    col = edge_index[1]
    h = _linear(params["node_embed"], x)
    e = _linear(params["edge_embed"], edge_attr)
    for lp in params["layers"]:
        h_row = h[row]
        nf = jnp.concatenate([h_row, e], axis=1)
        d = jax.nn.relu(_linear(lp["nm0"], nf))
        d = jax.nn.relu(_linear(lp["nm1"], d))
        dh = _linear(lp["nm2"], d)
        ef = jnp.concatenate([h_row, h[col], e], axis=1)
        de = _linear(lp["em1"], jax.nn.relu(_linear(lp["em0"], ef)))
        h = h + jnp.zeros_like(h).at[row].add(dh)
        e = e + de
    pl = params["pool"]
    hp = _linear(pl["node_proj"], h)
    ep = _linear(pl["edge_proj"], e)
    sums = jax.ops.segment_sum(ep, row, num_segments=h.shape[0])
    cnt = jax.ops.segment_sum(jnp.ones((ep.shape[0], 1), dtype=ep.dtype), row, num_segments=h.shape[0])
    hp = hp + sums / jnp.maximum(cnt, 1.0)
    q = _linear(pl["Wq"], pl["query"])
    k = _linear(pl["Wk"], hp)
    v = _linear(pl["Wv"], hp)
    dh_ = EMB // HEADS
    qh = q.reshape(1, HEADS, dh_).transpose(1, 0, 2)
    kh = k.reshape(-1, HEADS, dh_).transpose(1, 0, 2)
    vh = v.reshape(-1, HEADS, dh_).transpose(1, 0, 2)
    att = jax.nn.softmax(qh @ kh.transpose(0, 2, 1) / np.sqrt(dh_), axis=-1)
    o = (att @ vh).transpose(1, 0, 2).reshape(1, EMB)
    pooled = _linear(pl["Wo"], o)
    z = jax.nn.relu(pooled)
    z = _linear(params["head"]["h0"], z)
    z = jax.nn.relu(z)
    mu = z.mean(axis=-1, keepdims=True)
    var = z.var(axis=-1, keepdims=True)
    z = (z - mu) / jnp.sqrt(var + 1e-5) * params["head"]["ln_g"] + params["head"]["ln_b"]
    return _linear(params["head"]["h1"], z)


def reference(x, edge_attr, params, edge_index):
    return _forward(x, edge_attr, params, edge_index)

if __name__ == "__main__":
    import jax
    _d = setup_inputs()
    print(jax.jit(kernel)(*tuple(_d.values())))

</pallas_src>

<mosaic_0001>
#map = affine_map<(d0, d1) -> (0, 0)>
#map1 = affine_map<(d0, d1) -> (0, 0, 0)>
module attributes {stable_mosaic.version = 14 : i64} {
  func.func @k(%arg0: i32, %arg1: i32, %arg2: memref<10000x64xf32, #tpu.memory_space<hbm>>, %arg3: memref<32x20x125xi32, #tpu.memory_space<hbm>>, %arg4: memref<32x20x125xi32, #tpu.memory_space<hbm>>, %arg5: memref<80000x128xf32, #tpu.memory_space<hbm>>, %arg6: memref<20x125xi32, #tpu.memory_space<vmem>>, %arg7: memref<2x500x64xf32, #tpu.memory_space<vmem>>, %arg8: memref<!tpu.dma_semaphore, #tpu.memory_space<semaphore_mem>>, %arg9: memref<2x!tpu.dma_semaphore, #tpu.memory_space<semaphore_mem>>) attributes {dimension_semantics = [#tpu.dimension_semantics<core_parallel>, #tpu.dimension_semantics<subcore_parallel>], iteration_bounds = array<i64: 2, 16>, scalar_prefetch = 0 : i64, scratch_operands = 4 : i64, tpu.core_type = #tpu.core_type<sc_vector_subcore>, window_params = [{transform_indices = #map}, {transform_indices = #map1}, {transform_indices = #map1}, {transform_indices = #map}]} {
    %mul3A = arith.constant 2 : i32
    %mul3A_0 = arith.muli %arg1, %mul3A : i32
    %add3A = arith.addi %mul3A_0, %arg0 : i32
    %mul3A_1 = arith.constant 20 : i32
    %mul3A_2 = arith.muli %add3A, %mul3A_1 : i32
    %mul3A_3 = arith.constant 125 : i32
    %mul3A_4 = arith.muli %mul3A_2, %mul3A_3 : i32
    "tpu.region"() ({
      %run_scoped3A = tpu.sem_alloc : memref<!tpu.dma_semaphore, #tpu.memory_space<semaphore_mem>>
      %dma_start3A = arith.constant 0 : i32
      %dma_start3A_87 = arith.constant 0 : i32
      %dma_start3A_88 = tpu.memref_slice %arg3[%add3A, %dma_start3A, %dma_start3A_87] : memref<32x20x125xi32, #tpu.memory_space<hbm>> -> memref<1x20x125xi32, #tpu.memory_space<hbm>>
      %dma_start3A_89 = tpu.memref_squeeze %dma_start3A_88 : memref<1x20x125xi32, #tpu.memory_space<hbm>> -> memref<20x125xi32, #tpu.memory_space<hbm>>
      %dma_start3A_90 = arith.constant 0 : i32
      %dma_start3A_91 = arith.constant 0 : i32
      %dma_start3A_92 = tpu.memref_slice %arg3[%add3A, %dma_start3A_90, %dma_start3A_91] : memref<32x20x125xi32, #tpu.memory_space<hbm>> -> memref<1x20x125xi32, #tpu.memory_space<hbm>>
      %dma_start3A_93 = tpu.memref_squeeze %dma_start3A_92 : memref<1x20x125xi32, #tpu.memory_space<hbm>> -> memref<20x125xi32, #tpu.memory_space<hbm>>
      tpu.enqueue_dma source(%dma_start3A_93 : memref<20x125xi32, #tpu.memory_space<hbm>>) target(%arg6 : memref<20x125xi32, #tpu.memory_space<vmem>>) target_semaphore(%run_scoped3A : memref<!tpu.dma_semaphore, #tpu.memory_space<semaphore_mem>>)
      %dma_wait3A_94 = arith.constant 0 : i32
      %dma_wait3A_95 = arith.constant 0 : i32
      %dma_wait3A_96 = tpu.memref_slice %arg3[%add3A, %dma_wait3A_94, %dma_wait3A_95] : memref<32x20x125xi32, #tpu.memory_space<hbm>> -> memref<1x20x125xi32, #tpu.memory_space<hbm>>
      %dma_wait3A_97 = tpu.memref_squeeze %dma_wait3A_96 : memref<1x20x125xi32, #tpu.memory_space<hbm>> -> memref<20x125xi32, #tpu.memory_space<hbm>>
      %dma_wait3A_98 = arith.constant 0 : i32
      %dma_wait3A_99 = arith.constant 0 : i32
      %dma_wait3A_100 = tpu.memref_slice %arg3[%add3A, %dma_wait3A_98, %dma_wait3A_99] : memref<32x20x125xi32, #tpu.memory_space<hbm>> -> memref<1x20x125xi32, #tpu.memory_space<hbm>>
      %dma_wait3A_101 = tpu.memref_squeeze %dma_wait3A_100 : memref<1x20x125xi32, #tpu.memory_space<hbm>> -> memref<20x125xi32, #tpu.memory_space<hbm>>
      tpu.wait_dma2 semaphore(%run_scoped3A : memref<!tpu.dma_semaphore, #tpu.memory_space<semaphore_mem>>) src(%dma_wait3A_101 : memref<20x125xi32, #tpu.memory_space<hbm>>) dst(%arg6 : memref<20x125xi32, #tpu.memory_space<vmem>>)
      tpu.yield
    }) : () -> ()
    %scan3A = arith.constant 0 : i32
    %scan3A_5 = arith.constant 0 : i32
    %scan3A_6 = arith.constant 5 : i32
    %scan3A_7 = arith.addi %scan3A_5, %scan3A_6 : i32
    %scan3A_8 = arith.constant 1 : i32
    scf.for %scan3A_87 = %scan3A_5 to %scan3A_7 step %scan3A_8  : i32 {
      %rem3A = arith.constant 2 : i32
      %rem3A_88 = arith.remsi %scan3A_87, %rem3A : i32
      %ge3A = arith.constant 2 : i32
      %ge3A_89 = arith.cmpi sge, %scan3A_87, %ge3A : i32
      %convert_element_type3A = arith.extui %ge3A_89 : i1 to i32
      %cond3A = arith.constant 0 : i32
      %cond3A_90 = arith.cmpi ne, %convert_element_type3A, %cond3A : i32
      scf.if %cond3A_90 {
        %mul3A_219 = arith.constant 500 : i32
        %mul3A_220 = arith.muli %scan3A_87, %mul3A_219 : i32
        %add3A_221 = arith.addi %mul3A_4, %mul3A_220 : i32
        %dma_wait3A_222 = arith.constant 0 : i32
        %dma_wait3A_223 = arith.constant 0 : i32
        %dma_wait3A_224 = tpu.memref_slice %arg7[%rem3A_88, %dma_wait3A_222, %dma_wait3A_223] : memref<2x500x64xf32, #tpu.memory_space<vmem>> -> memref<1x500x64xf32, #tpu.memory_space<vmem>>
        %dma_wait3A_225 = tpu.memref_squeeze %dma_wait3A_224 : memref<1x500x64xf32, #tpu.memory_space<vmem>> -> memref<500x64xf32, #tpu.memory_space<vmem>>
        %dma_wait3A_226 = arith.constant 0 : i32
        %dma_wait3A_227 = tpu.memref_slice %arg5[%add3A_221, %dma_wait3A_226] : memref<80000x128xf32, #tpu.memory_space<hbm>> -> memref<500x64xf32, #tpu.memory_space<hbm>>
        %dma_wait3A_228 = tpu.memref_slice %arg9[%rem3A_88] : memref<2x!tpu.dma_semaphore, #tpu.memory_space<semaphore_mem>> -> memref<1x!tpu.dma_semaphore, #tpu.memory_space<semaphore_mem>>
        %dma_wait3A_229 = tpu.memref_squeeze %dma_wait3A_228 : memref<1x!tpu.dma_semaphore, #tpu.memory_space<semaphore_mem>> -> memref<!tpu.dma_semaphore, #tpu.memory_space<semaphore_mem>>
        %dma_wait3A_230 = arith.constant 0 : i32
        %dma_wait3A_231 = tpu.memref_slice %arg5[%add3A_221, %dma_wait3A_230] : memref<80000x128xf32, #tpu.memory_space<hbm>> -> memref<500x64xf32, #tpu.memory_space<hbm>>
        %dma_wait3A_232 = arith.constant 0 : i32
        %dma_wait3A_233 = arith.constant 0 : i32
        %dma_wait3A_234 = tpu.memref_slice %arg7[%rem3A_88, %dma_wait3A_232, %dma_wait3A_233] : memref<2x500x64xf32, #tpu.memory_space<vmem>> -> memref<1x500x64xf32, #tpu.memory_space<vmem>>
        %dma_wait3A_235 = tpu.memref_squeeze %dma_wait3A_234 : memref<1x500x64xf32, #tpu.memory_space<vmem>> -> memref<500x64xf32, #tpu.memory_space<vmem>>
        tpu.wait_dma2 semaphore(%dma_wait3A_229 : memref<!tpu.dma_semaphore, #tpu.memory_space<semaphore_mem>>) src(%dma_wait3A_235 : memref<500x64xf32, #tpu.memory_space<vmem>>) dst(%dma_wait3A_231 : memref<500x64xf32, #tpu.memory_space<hbm>>)
      } else {
      }
      %mul3A_91 = arith.constant 4 : i32
      %mul3A_92 = arith.muli %scan3A_87, %mul3A_91 : i32
      %add3A_93 = arith.constant 0 : i32
      %add3A_94 = arith.addi %mul3A_92, %add3A_93 : i32
      %dma_start3A = arith.constant 0 : i32
      %dma_start3A_95 = arith.constant 0 : i32
      %dma_start3A_96 = tpu.memref_slice %arg7[%rem3A_88, %dma_start3A, %dma_start3A_95] : memref<2x500x64xf32, #tpu.memory_space<vmem>> -> memref<1x125x64xf32, #tpu.memory_space<vmem>>
      %dma_start3A_97 = tpu.memref_squeeze %dma_start3A_96 : memref<1x125x64xf32, #tpu.memory_space<vmem>> -> memref<125x64xf32, #tpu.memory_space<vmem>>
      %dma_start3A_98 = arith.constant 0 : i32
      %dma_start3A_99 = tpu.memref_slice %arg6[%add3A_94, %dma_start3A_98] : memref<20x125xi32, #tpu.memory_space<vmem>> -> memref<1x125xi32, #tpu.memory_space<vmem>>
      %dma_start3A_100 = tpu.memref_squeeze %dma_start3A_99 : memref<1x125xi32, #tpu.memory_space<vmem>> -> memref<125xi32, #tpu.memory_space<vmem>>
      %dma_start3A_101 = arith.constant 0 : i32
      %dma_start3A_102 = arith.constant 0 : i32
      %dma_start3A_103 = tpu.memref_slice %arg2[%dma_start3A_101, %dma_start3A_102] : memref<10000x64xf32, #tpu.memory_space<hbm>> -> memref<10000x64xf32, #tpu.memory_space<hbm>>
      tpu.enqueue_indirect_dma source(%dma_start3A_103 : memref<10000x64xf32, #tpu.memory_space<hbm>>) target(%dma_start3A_97 : memref<125x64xf32, #tpu.memory_space<vmem>>) offsets(%dma_start3A_100 : memref<125xi32, #tpu.memory_space<vmem>>) semaphore(%arg8 : memref<!tpu.dma_semaphore, #tpu.memory_space<semaphore_mem>>)
      %mul3A_104 = arith.constant 4 : i32
      %mul3A_105 = arith.muli %scan3A_87, %mul3A_104 : i32
      %add3A_106 = arith.constant 1 : i32
      %add3A_107 = arith.addi %mul3A_105, %add3A_106 : i32
      %dma_start3A_108 = arith.constant 125 : i32
      %dma_start3A_109 = arith.constant 0 : i32
      %dma_start3A_110 = tpu.memref_slice %arg7[%rem3A_88, %dma_start3A_108, %dma_start3A_109] : memref<2x500x64xf32, #tpu.memory_space<vmem>> -> memref<1x125x64xf32, #tpu.memory_space<vmem>>
      %dma_start3A_111 = tpu.memref_squeeze %dma_start3A_110 : memref<1x125x64xf32, #tpu.memory_space<vmem>> -> memref<125x64xf32, #tpu.memory_space<vmem>>
      %dma_start3A_112 = arith.constant 0 : i32
      %dma_start3A_113 = tpu.memref_slice %arg6[%add3A_107, %dma_start3A_112] : memref<20x125xi32, #tpu.memory_space<vmem>> -> memref<1x125xi32, #tpu.memory_space<vmem>>
      %dma_start3A_114 = tpu.memref_squeeze %dma_start3A_113 : memref<1x125xi32, #tpu.memory_space<vmem>> -> memref<125xi32, #tpu.memory_space<vmem>>
      %dma_start3A_115 = arith.constant 0 : i32
      %dma_start3A_116 = arith.constant 0 : i32
      %dma_start3A_117 = tpu.memref_slice %arg2[%dma_start3A_115, %dma_start3A_116] : memref<10000x64xf32, #tpu.memory_space<hbm>> -> memref<10000x64xf32, #tpu.memory_space<hbm>>
      tpu.enqueue_indirect_dma source(%dma_start3A_117 : memref<10000x64xf32, #tpu.memory_space<hbm>>) target(%dma_start3A_111 : memref<125x64xf32, #tpu.memory_space<vmem>>) offsets(%dma_start3A_114 : memref<125xi32, #tpu.memory_space<vmem>>) semaphore(%arg8 : memref<!tpu.dma_semaphore, #tpu.memory_space<semaphore_mem>>)
      %mul3A_118 = arith.constant 4 : i32
      %mul3A_119 = arith.muli %scan3A_87, %mul3A_118 : i32
      %add3A_120 = arith.constant 2 : i32
      %add3A_121 = arith.addi %mul3A_119, %add3A_120 : i32
      %dma_start3A_122 = arith.constant 250 : i32
      %dma_start3A_123 = arith.constant 0 : i32
      %dma_start3A_124 = tpu.memref_slice %arg7[%rem3A_88, %dma_start3A_122, %dma_start3A_123] : memref<2x500x64xf32, #tpu.memory_space<vmem>> -> memref<1x125x64xf32, #tpu.memory_space<vmem>>
      %dma_start3A_125 = tpu.memref_squeeze %dma_start3A_124 : memref<1x125x64xf32, #tpu.memory_space<vmem>> -> memref<125x64xf32, #tpu.memory_space<vmem>>
      %dma_start3A_126 = arith.constant 0 : i32
      %dma_start3A_127 = tpu.memref_slice %arg6[%add3A_121, %dma_start3A_126] : memref<20x125xi32, #tpu.memory_space<vmem>> -> memref<1x125xi32, #tpu.memory_space<vmem>>
      %dma_start3A_128 = tpu.memref_squeeze %dma_start3A_127 : memref<1x125xi32, #tpu.memory_space<vmem>> -> memref<125xi32, #tpu.memory_space<vmem>>
      %dma_start3A_129 = arith.constant 0 : i32
      %dma_start3A_130 = arith.constant 0 : i32
      %dma_start3A_131 = tpu.memref_slice %arg2[%dma_start3A_129, %dma_start3A_130] : memref<10000x64xf32, #tpu.memory_space<hbm>> -> memref<10000x64xf32, #tpu.memory_space<hbm>>
      tpu.enqueue_indirect_dma source(%dma_start3A_131 : memref<10000x64xf32, #tpu.memory_space<hbm>>) target(%dma_start3A_125 : memref<125x64xf32, #tpu.memory_space<vmem>>) offsets(%dma_start3A_128 : memref<125xi32, #tpu.memory_space<vmem>>) semaphore(%arg8 : memref<!tpu.dma_semaphore, #tpu.memory_space<semaphore_mem>>)
      %mul3A_132 = arith.constant 4 : i32
      %mul3A_133 = arith.muli %scan3A_87, %mul3A_132 : i32
      %add3A_134 = arith.constant 3 : i32
      %add3A_135 = arith.addi %mul3A_133, %add3A_134 : i32
      %dma_start3A_136 = arith.constant 375 : i32
      %dma_start3A_137 = arith.constant 0 : i32
      %dma_start3A_138 = tpu.memref_slice %arg7[%rem3A_88, %dma_start3A_136, %dma_start3A_137] : memref<2x500x64xf32, #tpu.memory_space<vmem>> -> memref<1x125x64xf32, #tpu.memory_space<vmem>>
      %dma_start3A_139 = tpu.memref_squeeze %dma_start3A_138 : memref<1x125x64xf32, #tpu.memory_space<vmem>> -> memref<125x64xf32, #tpu.memory_space<vmem>>
      %dma_start3A_140 = arith.constant 0 : i32
      %dma_start3A_141 = tpu.memref_slice %arg6[%add3A_135, %dma_start3A_140] : memref<20x125xi32, #tpu.memory_space<vmem>> -> memref<1x125xi32, #tpu.memory_space<vmem>>
      %dma_start3A_142 = tpu.memref_squeeze %dma_start3A_141 : memref<1x125xi32, #tpu.memory_space<vmem>> -> memref<125xi32, #tpu.memory_space<vmem>>
      %dma_start3A_143 = arith.constant 0 : i32
      %dma_start3A_144 = arith.constant 0 : i32
      %dma_start3A_145 = tpu.memref_slice %arg2[%dma_start3A_143, %dma_start3A_144] : memref<10000x64xf32, #tpu.memory_space<hbm>> -> memref<10000x64xf32, #tpu.memory_space<hbm>>
      tpu.enqueue_indirect_dma source(%dma_start3A_145 : memref<10000x64xf32, #tpu.memory_space<hbm>>) target(%dma_start3A_139 : memref<125x64xf32, #tpu.memory_space<vmem>>) offsets(%dma_start3A_142 : memref<125xi32, #tpu.memory_space<vmem>>) semaphore(%arg8 : memref<!tpu.dma_semaphore, #tpu.memory_space<semaphore_mem>>)
      %mul3A_146 = arith.constant 4 : i32
      %mul3A_147 = arith.muli %scan3A_87, %mul3A_146 : i32
      %add3A_148 = arith.constant 0 : i32
      %add3A_149 = arith.addi %mul3A_147, %add3A_148 : i32
      %dma_wait3A_150 = arith.constant 0 : i32
      %dma_wait3A_151 = arith.constant 0 : i32
      %dma_wait3A_152 = tpu.memref_slice %arg7[%rem3A_88, %dma_wait3A_150, %dma_wait3A_151] : memref<2x500x64xf32, #tpu.memory_space<vmem>> -> memref<1x125x64xf32, #tpu.memory_space<vmem>>
      %dma_wait3A_153 = tpu.memref_squeeze %dma_wait3A_152 : memref<1x125x64xf32, #tpu.memory_space<vmem>> -> memref<125x64xf32, #tpu.memory_space<vmem>>
      %dma_wait3A_154 = arith.constant 0 : i32
      %dma_wait3A_155 = tpu.memref_slice %arg6[%add3A_149, %dma_wait3A_154] : memref<20x125xi32, #tpu.memory_space<vmem>> -> memref<1x125xi32, #tpu.memory_space<vmem>>
      %dma_wait3A_156 = tpu.memref_squeeze %dma_wait3A_155 : memref<1x125xi32, #tpu.memory_space<vmem>> -> memref<125xi32, #tpu.memory_space<vmem>>
      %dma_wait3A_157 = arith.constant 0 : i32
      %dma_wait3A_158 = arith.constant 0 : i32
      %dma_wait3A_159 = tpu.memref_slice %arg2[%dma_wait3A_157, %dma_wait3A_158] : memref<10000x64xf32, #tpu.memory_space<hbm>> -> memref<10000x64xf32, #tpu.memory_space<hbm>>
      tpu.wait_indirect_dma semaphore(%arg8 : memref<!tpu.dma_semaphore, #tpu.memory_space<semaphore_mem>>) src(%dma_wait3A_159 : memref<10000x64xf32, #tpu.memory_space<hbm>>) dst(%dma_wait3A_153 : memref<125x64xf32, #tpu.memory_space<vmem>>)
      %mul3A_160 = arith.constant 4 : i32
      %mul3A_161 = arith.muli %scan3A_87, %mul3A_160 : i32
      %add3A_162 = arith.constant 1 : i32
      %add3A_163 = arith.addi %mul3A_161, %add3A_162 : i32
      %dma_wait3A_164 = arith.constant 125 : i32
      %dma_wait3A_165 = arith.constant 0 : i32
      %dma_wait3A_166 = tpu.memref_slice %arg7[%rem3A_88, %dma_wait3A_164, %dma_wait3A_165] : memref<2x500x64xf32, #tpu.memory_space<vmem>> -> memref<1x125x64xf32, #tpu.memory_space<vmem>>
      %dma_wait3A_167 = tpu.memref_squeeze %dma_wait3A_166 : memref<1x125x64xf32, #tpu.memory_space<vmem>> -> memref<125x64xf32, #tpu.memory_space<vmem>>
      %dma_wait3A_168 = arith.constant 0 : i32
      %dma_wait3A_169 = tpu.memref_slice %arg6[%add3A_163, %dma_wait3A_168] : memref<20x125xi32, #tpu.memory_space<vmem>> -> memref<1x125xi32, #tpu.memory_space<vmem>>
      %dma_wait3A_170 = tpu.memref_squeeze %dma_wait3A_169 : memref<1x125xi32, #tpu.memory_space<vmem>> -> memref<125xi32, #tpu.memory_space<vmem>>
      %dma_wait3A_171 = arith.constant 0 : i32
      %dma_wait3A_172 = arith.constant 0 : i32
      %dma_wait3A_173 = tpu.memref_slice %arg2[%dma_wait3A_171, %dma_wait3A_172] : memref<10000x64xf32, #tpu.memory_space<hbm>> -> memref<10000x64xf32, #tpu.memory_space<hbm>>
      tpu.wait_indirect_dma semaphore(%arg8 : memref<!tpu.dma_semaphore, #tpu.memory_space<semaphore_mem>>) src(%dma_wait3A_173 : memref<10000x64xf32, #tpu.memory_space<hbm>>) dst(%dma_wait3A_167 : memref<125x64xf32, #tpu.memory_space<vmem>>)
      %mul3A_174 = arith.constant 4 : i32
      %mul3A_175 = arith.muli %scan3A_87, %mul3A_174 : i32
      %add3A_176 = arith.constant 2 : i32
      %add3A_177 = arith.addi %mul3A_175, %add3A_176 : i32
      %dma_wait3A_178 = arith.constant 250 : i32
      %dma_wait3A_179 = arith.constant 0 : i32
      %dma_wait3A_180 = tpu.memref_slice %arg7[%rem3A_88, %dma_wait3A_178, %dma_wait3A_179] : memref<2x500x64xf32, #tpu.memory_space<vmem>> -> memref<1x125x64xf32, #tpu.memory_space<vmem>>
      %dma_wait3A_181 = tpu.memref_squeeze %dma_wait3A_180 : memref<1x125x64xf32, #tpu.memory_space<vmem>> -> memref<125x64xf32, #tpu.memory_space<vmem>>
      %dma_wait3A_182 = arith.constant 0 : i32
      %dma_wait3A_183 = tpu.memref_slice %arg6[%add3A_177, %dma_wait3A_182] : memref<20x125xi32, #tpu.memory_space<vmem>> -> memref<1x125xi32, #tpu.memory_space<vmem>>
      %dma_wait3A_184 = tpu.memref_squeeze %dma_wait3A_183 : memref<1x125xi32, #tpu.memory_space<vmem>> -> memref<125xi32, #tpu.memory_space<vmem>>
      %dma_wait3A_185 = arith.constant 0 : i32
      %dma_wait3A_186 = arith.constant 0 : i32
      %dma_wait3A_187 = tpu.memref_slice %arg2[%dma_wait3A_185, %dma_wait3A_186] : memref<10000x64xf32, #tpu.memory_space<hbm>> -> memref<10000x64xf32, #tpu.memory_space<hbm>>
      tpu.wait_indirect_dma semaphore(%arg8 : memref<!tpu.dma_semaphore, #tpu.memory_space<semaphore_mem>>) src(%dma_wait3A_187 : memref<10000x64xf32, #tpu.memory_space<hbm>>) dst(%dma_wait3A_181 : memref<125x64xf32, #tpu.memory_space<vmem>>)
      %mul3A_188 = arith.constant 4 : i32
      %mul3A_189 = arith.muli %scan3A_87, %mul3A_188 : i32
      %add3A_190 = arith.constant 3 : i32
      %add3A_191 = arith.addi %mul3A_189, %add3A_190 : i32
      %dma_wait3A_192 = arith.constant 375 : i32
      %dma_wait3A_193 = arith.constant 0 : i32
      %dma_wait3A_194 = tpu.memref_slice %arg7[%rem3A_88, %dma_wait3A_192, %dma_wait3A_193] : memref<2x500x64xf32, #tpu.memory_space<vmem>> -> memref<1x125x64xf32, #tpu.memory_space<vmem>>
      %dma_wait3A_195 = tpu.memref_squeeze %dma_wait3A_194 : memref<1x125x64xf32, #tpu.memory_space<vmem>> -> memref<125x64xf32, #tpu.memory_space<vmem>>
      %dma_wait3A_196 = arith.constant 0 : i32
      %dma_wait3A_197 = tpu.memref_slice %arg6[%add3A_191, %dma_wait3A_196] : memref<20x125xi32, #tpu.memory_space<vmem>> -> memref<1x125xi32, #tpu.memory_space<vmem>>
      %dma_wait3A_198 = tpu.memref_squeeze %dma_wait3A_197 : memref<1x125xi32, #tpu.memory_space<vmem>> -> memref<125xi32, #tpu.memory_space<vmem>>
      %dma_wait3A_199 = arith.constant 0 : i32
      %dma_wait3A_200 = arith.constant 0 : i32
      %dma_wait3A_201 = tpu.memref_slice %arg2[%dma_wait3A_199, %dma_wait3A_200] : memref<10000x64xf32, #tpu.memory_space<hbm>> -> memref<10000x64xf32, #tpu.memory_space<hbm>>
      tpu.wait_indirect_dma semaphore(%arg8 : memref<!tpu.dma_semaphore, #tpu.memory_space<semaphore_mem>>) src(%dma_wait3A_201 : memref<10000x64xf32, #tpu.memory_space<hbm>>) dst(%dma_wait3A_195 : memref<125x64xf32, #tpu.memory_space<vmem>>)
      %mul3A_202 = arith.constant 500 : i32
      %mul3A_203 = arith.muli %scan3A_87, %mul3A_202 : i32
      %add3A_204 = arith.addi %mul3A_4, %mul3A_203 : i32
      %dma_start3A_205 = arith.constant 0 : i32
      %dma_start3A_206 = arith.constant 0 : i32
      %dma_start3A_207 = tpu.memref_slice %arg7[%rem3A_88, %dma_start3A_205, %dma_start3A_206] : memref<2x500x64xf32, #tpu.memory_space<vmem>> -> memref<1x500x64xf32, #tpu.memory_space<vmem>>
      %dma_start3A_208 = tpu.memref_squeeze %dma_start3A_207 : memref<1x500x64xf32, #tpu.memory_space<vmem>> -> memref<500x64xf32, #tpu.memory_space<vmem>>
      %dma_start3A_209 = arith.constant 0 : i32
      %dma_start3A_210 = tpu.memref_slice %arg5[%add3A_204, %dma_start3A_209] : memref<80000x128xf32, #tpu.memory_space<hbm>> -> memref<500x64xf32, #tpu.memory_space<hbm>>
      %dma_start3A_211 = tpu.memref_slice %arg9[%rem3A_88] : memref<2x!tpu.dma_semaphore, #tpu.memory_space<semaphore_mem>> -> memref<1x!tpu.dma_semaphore, #tpu.memory_space<semaphore_mem>>
      %dma_start3A_212 = tpu.memref_squeeze %dma_start3A_211 : memref<1x!tpu.dma_semaphore, #tpu.memory_space<semaphore_mem>> -> memref<!tpu.dma_semaphore, #tpu.memory_space<semaphore_mem>>
      %dma_start3A_213 = arith.constant 0 : i32
      %dma_start3A_214 = tpu.memref_slice %arg5[%add3A_204, %dma_start3A_213] : memref<80000x128xf32, #tpu.memory_space<hbm>> -> memref<500x64xf32, #tpu.memory_space<hbm>>
      %dma_start3A_215 = arith.constant 0 : i32
      %dma_start3A_216 = arith.constant 0 : i32
      %dma_start3A_217 = tpu.memref_slice %arg7[%rem3A_88, %dma_start3A_215, %dma_start3A_216] : memref<2x500x64xf32, #tpu.memory_space<vmem>> -> memref<1x500x64xf32, #tpu.memory_space<vmem>>
      %dma_start3A_218 = tpu.memref_squeeze %dma_start3A_217 : memref<1x500x64xf32, #tpu.memory_space<vmem>> -> memref<500x64xf32, #tpu.memory_space<vmem>>
      tpu.enqueue_dma source(%dma_start3A_218 : memref<500x64xf32, #tpu.memory_space<vmem>>) target(%dma_start3A_214 : memref<500x64xf32, #tpu.memory_space<hbm>>) target_semaphore(%dma_start3A_212 : memref<!tpu.dma_semaphore, #tpu.memory_space<semaphore_mem>>)
    }
    %scan3A_9 = arith.constant 5 : i32
    %add3A_10 = arith.constant 0 : i32
    %add3A_11 = arith.addi %mul3A_4, %add3A_10 : i32
    %dma_wait3A = arith.constant 0 : i32
    %dma_wait3A_12 = arith.constant 0 : i32
    %dma_wait3A_13 = arith.constant 0 : i32
    %dma_wait3A_14 = arith.constant 0 : i32
    %dma_wait3A_15 = tpu.memref_slice %arg7[%dma_wait3A, %dma_wait3A_13, %dma_wait3A_14] : memref<2x500x64xf32, #tpu.memory_space<vmem>> -> memref<1x500x64xf32, #tpu.memory_space<vmem>>
    %dma_wait3A_16 = tpu.memref_squeeze %dma_wait3A_15 : memref<1x500x64xf32, #tpu.memory_space<vmem>> -> memref<500x64xf32, #tpu.memory_space<vmem>>
    %dma_wait3A_17 = arith.constant 0 : i32
    %dma_wait3A_18 = tpu.memref_slice %arg5[%add3A_11, %dma_wait3A_17] : memref<80000x128xf32, #tpu.memory_space<hbm>> -> memref<500x64xf32, #tpu.memory_space<hbm>>
    %dma_wait3A_19 = tpu.memref_slice %arg9[%dma_wait3A_12] : memref<2x!tpu.dma_semaphore, #tpu.memory_space<semaphore_mem>> -> memref<1x!tpu.dma_semaphore, #tpu.memory_space<semaphore_mem>>
    %dma_wait3A_20 = tpu.memref_squeeze %dma_wait3A_19 : memref<1x!tpu.dma_semaphore, #tpu.memory_space<semaphore_mem>> -> memref<!tpu.dma_semaphore, #tpu.memory_space<semaphore_mem>>
    %dma_wait3A_21 = arith.constant 0 : i32
    %dma_wait3A_22 = tpu.memref_slice %arg5[%add3A_11, %dma_wait3A_21] : memref<80000x128xf32, #tpu.memory_space<hbm>> -> memref<500x64xf32, #tpu.memory_space<hbm>>
    %dma_wait3A_23 = arith.constant 0 : i32
    %dma_wait3A_24 = arith.constant 0 : i32
    %dma_wait3A_25 = tpu.memref_slice %arg7[%dma_wait3A, %dma_wait3A_23, %dma_wait3A_24] : memref<2x500x64xf32, #tpu.memory_space<vmem>> -> memref<1x500x64xf32, #tpu.memory_space<vmem>>
    %dma_wait3A_26 = tpu.memref_squeeze %dma_wait3A_25 : memref<1x500x64xf32, #tpu.memory_space<vmem>> -> memref<500x64xf32, #tpu.memory_space<vmem>>
    tpu.wait_dma2 semaphore(%dma_wait3A_20 : memref<!tpu.dma_semaphore, #tpu.memory_space<semaphore_mem>>) src(%dma_wait3A_26 : memref<500x64xf32, #tpu.memory_space<vmem>>) dst(%dma_wait3A_22 : memref<500x64xf32, #tpu.memory_space<hbm>>)
    %add3A_27 = arith.constant 0 : i32
    %add3A_28 = arith.addi %mul3A_4, %add3A_27 : i32
    %dma_wait3A_29 = arith.constant 1 : i32
    %dma_wait3A_30 = arith.constant 1 : i32
    %dma_wait3A_31 = arith.constant 0 : i32
    %dma_wait3A_32 = arith.constant 0 : i32
    %dma_wait3A_33 = tpu.memref_slice %arg7[%dma_wait3A_29, %dma_wait3A_31, %dma_wait3A_32] : memref<2x500x64xf32, #tpu.memory_space<vmem>> -> memref<1x500x64xf32, #tpu.memory_space<vmem>>
    %dma_wait3A_34 = tpu.memref_squeeze %dma_wait3A_33 : memref<1x500x64xf32, #tpu.memory_space<vmem>> -> memref<500x64xf32, #tpu.memory_space<vmem>>
    %dma_wait3A_35 = arith.constant 0 : i32
    %dma_wait3A_36 = tpu.memref_slice %arg5[%add3A_28, %dma_wait3A_35] : memref<80000x128xf32, #tpu.memory_space<hbm>> -> memref<500x64xf32, #tpu.memory_space<hbm>>
    %dma_wait3A_37 = tpu.memref_slice %arg9[%dma_wait3A_30] : memref<2x!tpu.dma_semaphore, #tpu.memory_space<semaphore_mem>> -> memref<1x!tpu.dma_semaphore, #tpu.memory_space<semaphore_mem>>
    %dma_wait3A_38 = tpu.memref_squeeze %dma_wait3A_37 : memref<1x!tpu.dma_semaphore, #tpu.memory_space<semaphore_mem>> -> memref<!tpu.dma_semaphore, #tpu.memory_space<semaphore_mem>>
    %dma_wait3A_39 = arith.constant 0 : i32
    %dma_wait3A_40 = tpu.memref_slice %arg5[%add3A_28, %dma_wait3A_39] : memref<80000x128xf32, #tpu.memory_space<hbm>> -> memref<500x64xf32, #tpu.memory_space<hbm>>
    %dma_wait3A_41 = arith.constant 0 : i32
    %dma_wait3A_42 = arith.constant 0 : i32
    %dma_wait3A_43 = tpu.memref_slice %arg7[%dma_wait3A_29, %dma_wait3A_41, %dma_wait3A_42] : memref<2x500x64xf32, #tpu.memory_space<vmem>> -> memref<1x500x64xf32, #tpu.memory_space<vmem>>
    %dma_wait3A_44 = tpu.memref_squeeze %dma_wait3A_43 : memref<1x500x64xf32, #tpu.memory_space<vmem>> -> memref<500x64xf32, #tpu.memory_space<vmem>>
    tpu.wait_dma2 semaphore(%dma_wait3A_38 : memref<!tpu.dma_semaphore, #tpu.memory_space<semaphore_mem>>) src(%dma_wait3A_44 : memref<500x64xf32, #tpu.memory_space<vmem>>) dst(%dma_wait3A_40 : memref<500x64xf32, #tpu.memory_space<hbm>>)
    "tpu.region"() ({
      %run_scoped3A = tpu.sem_alloc : memref<!tpu.dma_semaphore, #tpu.memory_space<semaphore_mem>>
      %dma_start3A = arith.constant 0 : i32
      %dma_start3A_87 = arith.constant 0 : i32
      %dma_start3A_88 = tpu.memref_slice %arg4[%add3A, %dma_start3A, %dma_start3A_87] : memref<32x20x125xi32, #tpu.memory_space<hbm>> -> memref<1x20x125xi32, #tpu.memory_space<hbm>>
      %dma_start3A_89 = tpu.memref_squeeze %dma_start3A_88 : memref<1x20x125xi32, #tpu.memory_space<hbm>> -> memref<20x125xi32, #tpu.memory_space<hbm>>
      %dma_start3A_90 = arith.constant 0 : i32
      %dma_start3A_91 = arith.constant 0 : i32
      %dma_start3A_92 = tpu.memref_slice %arg4[%add3A, %dma_start3A_90, %dma_start3A_91] : memref<32x20x125xi32, #tpu.memory_space<hbm>> -> memref<1x20x125xi32, #tpu.memory_space<hbm>>
      %dma_start3A_93 = tpu.memref_squeeze %dma_start3A_92 : memref<1x20x125xi32, #tpu.memory_space<hbm>> -> memref<20x125xi32, #tpu.memory_space<hbm>>
      tpu.enqueue_dma source(%dma_start3A_93 : memref<20x125xi32, #tpu.memory_space<hbm>>) target(%arg6 : memref<20x125xi32, #tpu.memory_space<vmem>>) target_semaphore(%run_scoped3A : memref<!tpu.dma_semaphore, #tpu.memory_space<semaphore_mem>>)
      %dma_wait3A_94 = arith.constant 0 : i32
      %dma_wait3A_95 = arith.constant 0 : i32
      %dma_wait3A_96 = tpu.memref_slice %arg4[%add3A, %dma_wait3A_94, %dma_wait3A_95] : memref<32x20x125xi32, #tpu.memory_space<hbm>> -> memref<1x20x125xi32, #tpu.memory_space<hbm>>
      %dma_wait3A_97 = tpu.memref_squeeze %dma_wait3A_96 : memref<1x20x125xi32, #tpu.memory_space<hbm>> -> memref<20x125xi32, #tpu.memory_space<hbm>>
      %dma_wait3A_98 = arith.constant 0 : i32
      %dma_wait3A_99 = arith.constant 0 : i32
      %dma_wait3A_100 = tpu.memref_slice %arg4[%add3A, %dma_wait3A_98, %dma_wait3A_99] : memref<32x20x125xi32, #tpu.memory_space<hbm>> -> memref<1x20x125xi32, #tpu.memory_space<hbm>>
      %dma_wait3A_101 = tpu.memref_squeeze %dma_wait3A_100 : memref<1x20x125xi32, #tpu.memory_space<hbm>> -> memref<20x125xi32, #tpu.memory_space<hbm>>
      tpu.wait_dma2 semaphore(%run_scoped3A : memref<!tpu.dma_semaphore, #tpu.memory_space<semaphore_mem>>) src(%dma_wait3A_101 : memref<20x125xi32, #tpu.memory_space<hbm>>) dst(%arg6 : memref<20x125xi32, #tpu.memory_space<vmem>>)
      tpu.yield
    }) : () -> ()
    %scan3A_45 = arith.constant 0 : i32
    %scan3A_46 = arith.constant 0 : i32
    %scan3A_47 = arith.constant 5 : i32
    %scan3A_48 = arith.addi %scan3A_46, %scan3A_47 : i32
    %scan3A_49 = arith.constant 1 : i32
    scf.for %scan3A_87 = %scan3A_46 to %scan3A_48 step %scan3A_49  : i32 {
      %rem3A = arith.constant 2 : i32
      %rem3A_88 = arith.remsi %scan3A_87, %rem3A : i32
      %ge3A = arith.constant 2 : i32
      %ge3A_89 = arith.cmpi sge, %scan3A_87, %ge3A : i32
      %convert_element_type3A = arith.extui %ge3A_89 : i1 to i32
      %cond3A = arith.constant 0 : i32
      %cond3A_90 = arith.cmpi ne, %convert_element_type3A, %cond3A : i32
      scf.if %cond3A_90 {
        %mul3A_219 = arith.constant 500 : i32
        %mul3A_220 = arith.muli %scan3A_87, %mul3A_219 : i32
        %add3A_221 = arith.addi %mul3A_4, %mul3A_220 : i32
        %dma_wait3A_222 = arith.constant 0 : i32
        %dma_wait3A_223 = arith.constant 0 : i32
        %dma_wait3A_224 = tpu.memref_slice %arg7[%rem3A_88, %dma_wait3A_222, %dma_wait3A_223] : memref<2x500x64xf32, #tpu.memory_space<vmem>> -> memref<1x500x64xf32, #tpu.memory_space<vmem>>
        %dma_wait3A_225 = tpu.memref_squeeze %dma_wait3A_224 : memref<1x500x64xf32, #tpu.memory_space<vmem>> -> memref<500x64xf32, #tpu.memory_space<vmem>>
        %dma_wait3A_226 = arith.constant 64 : i32
        %dma_wait3A_227 = tpu.memref_slice %arg5[%add3A_221, %dma_wait3A_226] : memref<80000x128xf32, #tpu.memory_space<hbm>> -> memref<500x64xf32, #tpu.memory_space<hbm>>
        %dma_wait3A_228 = tpu.memref_slice %arg9[%rem3A_88] : memref<2x!tpu.dma_semaphore, #tpu.memory_space<semaphore_mem>> -> memref<1x!tpu.dma_semaphore, #tpu.memory_space<semaphore_mem>>
        %dma_wait3A_229 = tpu.memref_squeeze %dma_wait3A_228 : memref<1x!tpu.dma_semaphore, #tpu.memory_space<semaphore_mem>> -> memref<!tpu.dma_semaphore, #tpu.memory_space<semaphore_mem>>
        %dma_wait3A_230 = arith.constant 64 : i32
        %dma_wait3A_231 = tpu.memref_slice %arg5[%add3A_221, %dma_wait3A_230] : memref<80000x128xf32, #tpu.memory_space<hbm>> -> memref<500x64xf32, #tpu.memory_space<hbm>>
        %dma_wait3A_232 = arith.constant 0 : i32
        %dma_wait3A_233 = arith.constant 0 : i32
        %dma_wait3A_234 = tpu.memref_slice %arg7[%rem3A_88, %dma_wait3A_232, %dma_wait3A_233] : memref<2x500x64xf32, #tpu.memory_space<vmem>> -> memref<1x500x64xf32, #tpu.memory_space<vmem>>
        %dma_wait3A_235 = tpu.memref_squeeze %dma_wait3A_234 : memref<1x500x64xf32, #tpu.memory_space<vmem>> -> memref<500x64xf32, #tpu.memory_space<vmem>>
        tpu.wait_dma2 semaphore(%dma_wait3A_229 : memref<!tpu.dma_semaphore, #tpu.memory_space<semaphore_mem>>) src(%dma_wait3A_235 : memref<500x64xf32, #tpu.memory_space<vmem>>) dst(%dma_wait3A_231 : memref<500x64xf32, #tpu.memory_space<hbm>>)
      } else {
      }
      %mul3A_91 = arith.constant 4 : i32
      %mul3A_92 = arith.muli %scan3A_87, %mul3A_91 : i32
      %add3A_93 = arith.constant 0 : i32
      %add3A_94 = arith.addi %mul3A_92, %add3A_93 : i32
      %dma_start3A = arith.constant 0 : i32
      %dma_start3A_95 = arith.constant 0 : i32
      %dma_start3A_96 = tpu.memref_slice %arg7[%rem3A_88, %dma_start3A, %dma_start3A_95] : memref<2x500x64xf32, #tpu.memory_space<vmem>> -> memref<1x125x64xf32, #tpu.memory_space<vmem>>
      %dma_start3A_97 = tpu.memref_squeeze %dma_start3A_96 : memref<1x125x64xf32, #tpu.memory_space<vmem>> -> memref<125x64xf32, #tpu.memory_space<vmem>>
      %dma_start3A_98 = arith.constant 0 : i32
      %dma_start3A_99 = tpu.memref_slice %arg6[%add3A_94, %dma_start3A_98] : memref<20x125xi32, #tpu.memory_space<vmem>> -> memref<1x125xi32, #tpu.memory_space<vmem>>
      %dma_start3A_100 = tpu.memref_squeeze %dma_start3A_99 : memref<1x125xi32, #tpu.memory_space<vmem>> -> memref<125xi32, #tpu.memory_space<vmem>>
      %dma_start3A_101 = arith.constant 0 : i32
      %dma_start3A_102 = arith.constant 0 : i32
      %dma_start3A_103 = tpu.memref_slice %arg2[%dma_start3A_101, %dma_start3A_102] : memref<10000x64xf32, #tpu.memory_space<hbm>> -> memref<10000x64xf32, #tpu.memory_space<hbm>>
      tpu.enqueue_indirect_dma source(%dma_start3A_103 : memref<10000x64xf32, #tpu.memory_space<hbm>>) target(%dma_start3A_97 : memref<125x64xf32, #tpu.memory_space<vmem>>) offsets(%dma_start3A_100 : memref<125xi32, #tpu.memory_space<vmem>>) semaphore(%arg8 : memref<!tpu.dma_semaphore, #tpu.memory_space<semaphore_mem>>)
      %mul3A_104 = arith.constant 4 : i32
      %mul3A_105 = arith.muli %scan3A_87, %mul3A_104 : i32
      %add3A_106 = arith.constant 1 : i32
      %add3A_107 = arith.addi %mul3A_105, %add3A_106 : i32
      %dma_start3A_108 = arith.constant 125 : i32
      %dma_start3A_109 = arith.constant 0 : i32
      %dma_start3A_110 = tpu.memref_slice %arg7[%rem3A_88, %dma_start3A_108, %dma_start3A_109] : memref<2x500x64xf32, #tpu.memory_space<vmem>> -> memref<1x125x64xf32, #tpu.memory_space<vmem>>
      %dma_start3A_111 = tpu.memref_squeeze %dma_start3A_110 : memref<1x125x64xf32, #tpu.memory_space<vmem>> -> memref<125x64xf32, #tpu.memory_space<vmem>>
      %dma_start3A_112 = arith.constant 0 : i32
      %dma_start3A_113 = tpu.memref_slice %arg6[%add3A_107, %dma_start3A_112] : memref<20x125xi32, #tpu.memory_space<vmem>> -> memref<1x125xi32, #tpu.memory_space<vmem>>
      %dma_start3A_114 = tpu.memref_squeeze %dma_start3A_113 : memref<1x125xi32, #tpu.memory_space<vmem>> -> memref<125xi32, #tpu.memory_space<vmem>>
      %dma_start3A_115 = arith.constant 0 : i32
      %dma_start3A_116 = arith.constant 0 : i32
      %dma_start3A_117 = tpu.memref_slice %arg2[%dma_start3A_115, %dma_start3A_116] : memref<10000x64xf32, #tpu.memory_space<hbm>> -> memref<10000x64xf32, #tpu.memory_space<hbm>>
      tpu.enqueue_indirect_dma source(%dma_start3A_117 : memref<10000x64xf32, #tpu.memory_space<hbm>>) target(%dma_start3A_111 : memref<125x64xf32, #tpu.memory_space<vmem>>) offsets(%dma_start3A_114 : memref<125xi32, #tpu.memory_space<vmem>>) semaphore(%arg8 : memref<!tpu.dma_semaphore, #tpu.memory_space<semaphore_mem>>)
      %mul3A_118 = arith.constant 4 : i32
      %mul3A_119 = arith.muli %scan3A_87, %mul3A_118 : i32
      %add3A_120 = arith.constant 2 : i32
      %add3A_121 = arith.addi %mul3A_119, %add3A_120 : i32
      %dma_start3A_122 = arith.constant 250 : i32
      %dma_start3A_123 = arith.constant 0 : i32
      %dma_start3A_124 = tpu.memref_slice %arg7[%rem3A_88, %dma_start3A_122, %dma_start3A_123] : memref<2x500x64xf32, #tpu.memory_space<vmem>> -> memref<1x125x64xf32, #tpu.memory_space<vmem>>
      %dma_start3A_125 = tpu.memref_squeeze %dma_start3A_124 : memref<1x125x64xf32, #tpu.memory_space<vmem>> -> memref<125x64xf32, #tpu.memory_space<vmem>>
      %dma_start3A_126 = arith.constant 0 : i32
      %dma_start3A_127 = tpu.memref_slice %arg6[%add3A_121, %dma_start3A_126] : memref<20x125xi32, #tpu.memory_space<vmem>> -> memref<1x125xi32, #tpu.memory_space<vmem>>
      %dma_start3A_128 = tpu.memref_squeeze %dma_start3A_127 : memref<1x125xi32, #tpu.memory_space<vmem>> -> memref<125xi32, #tpu.memory_space<vmem>>
      %dma_start3A_129 = arith.constant 0 : i32
      %dma_start3A_130 = arith.constant 0 : i32
      %dma_start3A_131 = tpu.memref_slice %arg2[%dma_start3A_129, %dma_start3A_130] : memref<10000x64xf32, #tpu.memory_space<hbm>> -> memref<10000x64xf32, #tpu.memory_space<hbm>>
      tpu.enqueue_indirect_dma source(%dma_start3A_131 : memref<10000x64xf32, #tpu.memory_space<hbm>>) target(%dma_start3A_125 : memref<125x64xf32, #tpu.memory_space<vmem>>) offsets(%dma_start3A_128 : memref<125xi32, #tpu.memory_space<vmem>>) semaphore(%arg8 : memref<!tpu.dma_semaphore, #tpu.memory_space<semaphore_mem>>)
      %mul3A_132 = arith.constant 4 : i32
      %mul3A_133 = arith.muli %scan3A_87, %mul3A_132 : i32
      %add3A_134 = arith.constant 3 : i32
      %add3A_135 = arith.addi %mul3A_133, %add3A_134 : i32
      %dma_start3A_136 = arith.constant 375 : i32
      %dma_start3A_137 = arith.constant 0 : i32
      %dma_start3A_138 = tpu.memref_slice %arg7[%rem3A_88, %dma_start3A_136, %dma_start3A_137] : memref<2x500x64xf32, #tpu.memory_space<vmem>> -> memref<1x125x64xf32, #tpu.memory_space<vmem>>
      %dma_start3A_139 = tpu.memref_squeeze %dma_start3A_138 : memref<1x125x64xf32, #tpu.memory_space<vmem>> -> memref<125x64xf32, #tpu.memory_space<vmem>>
      %dma_start3A_140 = arith.constant 0 : i32
      %dma_start3A_141 = tpu.memref_slice %arg6[%add3A_135, %dma_start3A_140] : memref<20x125xi32, #tpu.memory_space<vmem>> -> memref<1x125xi32, #tpu.memory_space<vmem>>
      %dma_start3A_142 = tpu.memref_squeeze %dma_start3A_141 : memref<1x125xi32, #tpu.memory_space<vmem>> -> memref<125xi32, #tpu.memory_space<vmem>>
      %dma_start3A_143 = arith.constant 0 : i32
      %dma_start3A_144 = arith.constant 0 : i32
      %dma_start3A_145 = tpu.memref_slice %arg2[%dma_start3A_143, %dma_start3A_144] : memref<10000x64xf32, #tpu.memory_space<hbm>> -> memref<10000x64xf32, #tpu.memory_space<hbm>>
      tpu.enqueue_indirect_dma source(%dma_start3A_145 : memref<10000x64xf32, #tpu.memory_space<hbm>>) target(%dma_start3A_139 : memref<125x64xf32, #tpu.memory_space<vmem>>) offsets(%dma_start3A_142 : memref<125xi32, #tpu.memory_space<vmem>>) semaphore(%arg8 : memref<!tpu.dma_semaphore, #tpu.memory_space<semaphore_mem>>)
      %mul3A_146 = arith.constant 4 : i32
      %mul3A_147 = arith.muli %scan3A_87, %mul3A_146 : i32
      %add3A_148 = arith.constant 0 : i32
      %add3A_149 = arith.addi %mul3A_147, %add3A_148 : i32
      %dma_wait3A_150 = arith.constant 0 : i32
      %dma_wait3A_151 = arith.constant 0 : i32
      %dma_wait3A_152 = tpu.memref_slice %arg7[%rem3A_88, %dma_wait3A_150, %dma_wait3A_151] : memref<2x500x64xf32, #tpu.memory_space<vmem>> -> memref<1x125x64xf32, #tpu.memory_space<vmem>>
      %dma_wait3A_153 = tpu.memref_squeeze %dma_wait3A_152 : memref<1x125x64xf32, #tpu.memory_space<vmem>> -> memref<125x64xf32, #tpu.memory_space<vmem>>
      %dma_wait3A_154 = arith.constant 0 : i32
      %dma_wait3A_155 = tpu.memref_slice %arg6[%add3A_149, %dma_wait3A_154] : memref<20x125xi32, #tpu.memory_space<vmem>> -> memref<1x125xi32, #tpu.memory_space<vmem>>
      %dma_wait3A_156 = tpu.memref_squeeze %dma_wait3A_155 : memref<1x125xi32, #tpu.memory_space<vmem>> -> memref<125xi32, #tpu.memory_space<vmem>>
      %dma_wait3A_157 = arith.constant 0 : i32
      %dma_wait3A_158 = arith.constant 0 : i32
      %dma_wait3A_159 = tpu.memref_slice %arg2[%dma_wait3A_157, %dma_wait3A_158] : memref<10000x64xf32, #tpu.memory_space<hbm>> -> memref<10000x64xf32, #tpu.memory_space<hbm>>
      tpu.wait_indirect_dma semaphore(%arg8 : memref<!tpu.dma_semaphore, #tpu.memory_space<semaphore_mem>>) src(%dma_wait3A_159 : memref<10000x64xf32, #tpu.memory_space<hbm>>) dst(%dma_wait3A_153 : memref<125x64xf32, #tpu.memory_space<vmem>>)
      %mul3A_160 = arith.constant 4 : i32
      %mul3A_161 = arith.muli %scan3A_87, %mul3A_160 : i32
      %add3A_162 = arith.constant 1 : i32
      %add3A_163 = arith.addi %mul3A_161, %add3A_162 : i32
      %dma_wait3A_164 = arith.constant 125 : i32
      %dma_wait3A_165 = arith.constant 0 : i32
      %dma_wait3A_166 = tpu.memref_slice %arg7[%rem3A_88, %dma_wait3A_164, %dma_wait3A_165] : memref<2x500x64xf32, #tpu.memory_space<vmem>> -> memref<1x125x64xf32, #tpu.memory_space<vmem>>
      %dma_wait3A_167 = tpu.memref_squeeze %dma_wait3A_166 : memref<1x125x64xf32, #tpu.memory_space<vmem>> -> memref<125x64xf32, #tpu.memory_space<vmem>>
      %dma_wait3A_168 = arith.constant 0 : i32
      %dma_wait3A_169 = tpu.memref_slice %arg6[%add3A_163, %dma_wait3A_168] : memref<20x125xi32, #tpu.memory_space<vmem>> -> memref<1x125xi32, #tpu.memory_space<vmem>>
      %dma_wait3A_170 = tpu.memref_squeeze %dma_wait3A_169 : memref<1x125xi32, #tpu.memory_space<vmem>> -> memref<125xi32, #tpu.memory_space<vmem>>
      %dma_wait3A_171 = arith.constant 0 : i32
      %dma_wait3A_172 = arith.constant 0 : i32
      %dma_wait3A_173 = tpu.memref_slice %arg2[%dma_wait3A_171, %dma_wait3A_172] : memref<10000x64xf32, #tpu.memory_space<hbm>> -> memref<10000x64xf32, #tpu.memory_space<hbm>>
      tpu.wait_indirect_dma semaphore(%arg8 : memref<!tpu.dma_semaphore, #tpu.memory_space<semaphore_mem>>) src(%dma_wait3A_173 : memref<10000x64xf32, #tpu.memory_space<hbm>>) dst(%dma_wait3A_167 : memref<125x64xf32, #tpu.memory_space<vmem>>)
      %mul3A_174 = arith.constant 4 : i32
      %mul3A_175 = arith.muli %scan3A_87, %mul3A_174 : i32
      %add3A_176 = arith.constant 2 : i32
      %add3A_177 = arith.addi %mul3A_175, %add3A_176 : i32
      %dma_wait3A_178 = arith.constant 250 : i32
      %dma_wait3A_179 = arith.constant 0 : i32
      %dma_wait3A_180 = tpu.memref_slice %arg7[%rem3A_88, %dma_wait3A_178, %dma_wait3A_179] : memref<2x500x64xf32, #tpu.memory_space<vmem>> -> memref<1x125x64xf32, #tpu.memory_space<vmem>>
      %dma_wait3A_181 = tpu.memref_squeeze %dma_wait3A_180 : memref<1x125x64xf32, #tpu.memory_space<vmem>> -> memref<125x64xf32, #tpu.memory_space<vmem>>
      %dma_wait3A_182 = arith.constant 0 : i32
      %dma_wait3A_183 = tpu.memref_slice %arg6[%add3A_177, %dma_wait3A_182] : memref<20x125xi32, #tpu.memory_space<vmem>> -> memref<1x125xi32, #tpu.memory_space<vmem>>
      %dma_wait3A_184 = tpu.memref_squeeze %dma_wait3A_183 : memref<1x125xi32, #tpu.memory_space<vmem>> -> memref<125xi32, #tpu.memory_space<vmem>>
      %dma_wait3A_185 = arith.constant 0 : i32
      %dma_wait3A_186 = arith.constant 0 : i32
      %dma_wait3A_187 = tpu.memref_slice %arg2[%dma_wait3A_185, %dma_wait3A_186] : memref<10000x64xf32, #tpu.memory_space<hbm>> -> memref<10000x64xf32, #tpu.memory_space<hbm>>
      tpu.wait_indirect_dma semaphore(%arg8 : memref<!tpu.dma_semaphore, #tpu.memory_space<semaphore_mem>>) src(%dma_wait3A_187 : memref<10000x64xf32, #tpu.memory_space<hbm>>) dst(%dma_wait3A_181 : memref<125x64xf32, #tpu.memory_space<vmem>>)
      %mul3A_188 = arith.constant 4 : i32
      %mul3A_189 = arith.muli %scan3A_87, %mul3A_188 : i32
      %add3A_190 = arith.constant 3 : i32
      %add3A_191 = arith.addi %mul3A_189, %add3A_190 : i32
      %dma_wait3A_192 = arith.constant 375 : i32
      %dma_wait3A_193 = arith.constant 0 : i32
      %dma_wait3A_194 = tpu.memref_slice %arg7[%rem3A_88, %dma_wait3A_192, %dma_wait3A_193] : memref<2x500x64xf32, #tpu.memory_space<vmem>> -> memref<1x125x64xf32, #tpu.memory_space<vmem>>
      %dma_wait3A_195 = tpu.memref_squeeze %dma_wait3A_194 : memref<1x125x64xf32, #tpu.memory_space<vmem>> -> memref<125x64xf32, #tpu.memory_space<vmem>>
      %dma_wait3A_196 = arith.constant 0 : i32
      %dma_wait3A_197 = tpu.memref_slice %arg6[%add3A_191, %dma_wait3A_196] : memref<20x125xi32, #tpu.memory_space<vmem>> -> memref<1x125xi32, #tpu.memory_space<vmem>>
      %dma_wait3A_198 = tpu.memref_squeeze %dma_wait3A_197 : memref<1x125xi32, #tpu.memory_space<vmem>> -> memref<125xi32, #tpu.memory_space<vmem>>
      %dma_wait3A_199 = arith.constant 0 : i32
      %dma_wait3A_200 = arith.constant 0 : i32
      %dma_wait3A_201 = tpu.memref_slice %arg2[%dma_wait3A_199, %dma_wait3A_200] : memref<10000x64xf32, #tpu.memory_space<hbm>> -> memref<10000x64xf32, #tpu.memory_space<hbm>>
      tpu.wait_indirect_dma semaphore(%arg8 : memref<!tpu.dma_semaphore, #tpu.memory_space<semaphore_mem>>) src(%dma_wait3A_201 : memref<10000x64xf32, #tpu.memory_space<hbm>>) dst(%dma_wait3A_195 : memref<125x64xf32, #tpu.memory_space<vmem>>)
      %mul3A_202 = arith.constant 500 : i32
      %mul3A_203 = arith.muli %scan3A_87, %mul3A_202 : i32
      %add3A_204 = arith.addi %mul3A_4, %mul3A_203 : i32
      %dma_start3A_205 = arith.constant 0 : i32
      %dma_start3A_206 = arith.constant 0 : i32
      %dma_start3A_207 = tpu.memref_slice %arg7[%rem3A_88, %dma_start3A_205, %dma_start3A_206] : memref<2x500x64xf32, #tpu.memory_space<vmem>> -> memref<1x500x64xf32, #tpu.memory_space<vmem>>
      %dma_start3A_208 = tpu.memref_squeeze %dma_start3A_207 : memref<1x500x64xf32, #tpu.memory_space<vmem>> -> memref<500x64xf32, #tpu.memory_space<vmem>>
      %dma_start3A_209 = arith.constant 64 : i32
      %dma_start3A_210 = tpu.memref_slice %arg5[%add3A_204, %dma_start3A_209] : memref<80000x128xf32, #tpu.memory_space<hbm>> -> memref<500x64xf32, #tpu.memory_space<hbm>>
      %dma_start3A_211 = tpu.memref_slice %arg9[%rem3A_88] : memref<2x!tpu.dma_semaphore, #tpu.memory_space<semaphore_mem>> -> memref<1x!tpu.dma_semaphore, #tpu.memory_space<semaphore_mem>>
      %dma_start3A_212 = tpu.memref_squeeze %dma_start3A_211 : memref<1x!tpu.dma_semaphore, #tpu.memory_space<semaphore_mem>> -> memref<!tpu.dma_semaphore, #tpu.memory_space<semaphore_mem>>
      %dma_start3A_213 = arith.constant 64 : i32
      %dma_start3A_214 = tpu.memref_slice %arg5[%add3A_204, %dma_start3A_213] : memref<80000x128xf32, #tpu.memory_space<hbm>> -> memref<500x64xf32, #tpu.memory_space<hbm>>
      %dma_start3A_215 = arith.constant 0 : i32
      %dma_start3A_216 = arith.constant 0 : i32
      %dma_start3A_217 = tpu.memref_slice %arg7[%rem3A_88, %dma_start3A_215, %dma_start3A_216] : memref<2x500x64xf32, #tpu.memory_space<vmem>> -> memref<1x500x64xf32, #tpu.memory_space<vmem>>
      %dma_start3A_218 = tpu.memref_squeeze %dma_start3A_217 : memref<1x500x64xf32, #tpu.memory_space<vmem>> -> memref<500x64xf32, #tpu.memory_space<vmem>>
      tpu.enqueue_dma source(%dma_start3A_218 : memref<500x64xf32, #tpu.memory_space<vmem>>) target(%dma_start3A_214 : memref<500x64xf32, #tpu.memory_space<hbm>>) target_semaphore(%dma_start3A_212 : memref<!tpu.dma_semaphore, #tpu.memory_space<semaphore_mem>>)
    }
    %scan3A_50 = arith.constant 5 : i32
    %add3A_51 = arith.constant 0 : i32
    %add3A_52 = arith.addi %mul3A_4, %add3A_51 : i32
    %dma_wait3A_53 = arith.constant 0 : i32
    %dma_wait3A_54 = arith.constant 0 : i32
    %dma_wait3A_55 = arith.constant 0 : i32
    %dma_wait3A_56 = arith.constant 0 : i32
    %dma_wait3A_57 = tpu.memref_slice %arg7[%dma_wait3A_53, %dma_wait3A_55, %dma_wait3A_56] : memref<2x500x64xf32, #tpu.memory_space<vmem>> -> memref<1x500x64xf32, #tpu.memory_space<vmem>>
    %dma_wait3A_58 = tpu.memref_squeeze %dma_wait3A_57 : memref<1x500x64xf32, #tpu.memory_space<vmem>> -> memref<500x64xf32, #tpu.memory_space<vmem>>
    %dma_wait3A_59 = arith.constant 64 : i32
    %dma_wait3A_60 = tpu.memref_slice %arg5[%add3A_52, %dma_wait3A_59] : memref<80000x128xf32, #tpu.memory_space<hbm>> -> memref<500x64xf32, #tpu.memory_space<hbm>>
    %dma_wait3A_61 = tpu.memref_slice %arg9[%dma_wait3A_54] : memref<2x!tpu.dma_semaphore, #tpu.memory_space<semaphore_mem>> -> memref<1x!tpu.dma_semaphore, #tpu.memory_space<semaphore_mem>>
    %dma_wait3A_62 = tpu.memref_squeeze %dma_wait3A_61 : memref<1x!tpu.dma_semaphore, #tpu.memory_space<semaphore_mem>> -> memref<!tpu.dma_semaphore, #tpu.memory_space<semaphore_mem>>
    %dma_wait3A_63 = arith.constant 64 : i32
    %dma_wait3A_64 = tpu.memref_slice %arg5[%add3A_52, %dma_wait3A_63] : memref<80000x128xf32, #tpu.memory_space<hbm>> -> memref<500x64xf32, #tpu.memory_space<hbm>>
    %dma_wait3A_65 = arith.constant 0 : i32
    %dma_wait3A_66 = arith.constant 0 : i32
    %dma_wait3A_67 = tpu.memref_slice %arg7[%dma_wait3A_53, %dma_wait3A_65, %dma_wait3A_66] : memref<2x500x64xf32, #tpu.memory_space<vmem>> -> memref<1x500x64xf32, #tpu.memory_space<vmem>>
    %dma_wait3A_68 = tpu.memref_squeeze %dma_wait3A_67 : memref<1x500x64xf32, #tpu.memory_space<vmem>> -> memref<500x64xf32, #tpu.memory_space<vmem>>
    tpu.wait_dma2 semaphore(%dma_wait3A_62 : memref<!tpu.dma_semaphore, #tpu.memory_space<semaphore_mem>>) src(%dma_wait3A_68 : memref<500x64xf32, #tpu.memory_space<vmem>>) dst(%dma_wait3A_64 : memref<500x64xf32, #tpu.memory_space<hbm>>)
    %add3A_69 = arith.constant 0 : i32
    %add3A_70 = arith.addi %mul3A_4, %add3A_69 : i32
    %dma_wait3A_71 = arith.constant 1 : i32
    %dma_wait3A_72 = arith.constant 1 : i32
    %dma_wait3A_73 = arith.constant 0 : i32
    %dma_wait3A_74 = arith.constant 0 : i32
    %dma_wait3A_75 = tpu.memref_slice %arg7[%dma_wait3A_71, %dma_wait3A_73, %dma_wait3A_74] : memref<2x500x64xf32, #tpu.memory_space<vmem>> -> memref<1x500x64xf32, #tpu.memory_space<vmem>>
    %dma_wait3A_76 = tpu.memref_squeeze %dma_wait3A_75 : memref<1x500x64xf32, #tpu.memory_space<vmem>> -> memref<500x64xf32, #tpu.memory_space<vmem>>
    %dma_wait3A_77 = arith.constant 64 : i32
    %dma_wait3A_78 = tpu.memref_slice %arg5[%add3A_70, %dma_wait3A_77] : memref<80000x128xf32, #tpu.memory_space<hbm>> -> memref<500x64xf32, #tpu.memory_space<hbm>>
    %dma_wait3A_79 = tpu.memref_slice %arg9[%dma_wait3A_72] : memref<2x!tpu.dma_semaphore, #tpu.memory_space<semaphore_mem>> -> memref<1x!tpu.dma_semaphore, #tpu.memory_space<semaphore_mem>>
    %dma_wait3A_80 = tpu.memref_squeeze %dma_wait3A_79 : memref<1x!tpu.dma_semaphore, #tpu.memory_space<semaphore_mem>> -> memref<!tpu.dma_semaphore, #tpu.memory_space<semaphore_mem>>
    %dma_wait3A_81 = arith.constant 64 : i32
    %dma_wait3A_82 = tpu.memref_slice %arg5[%add3A_70, %dma_wait3A_81] : memref<80000x128xf32, #tpu.memory_space<hbm>> -> memref<500x64xf32, #tpu.memory_space<hbm>>
    %dma_wait3A_83 = arith.constant 0 : i32
    %dma_wait3A_84 = arith.constant 0 : i32
    %dma_wait3A_85 = tpu.memref_slice %arg7[%dma_wait3A_71, %dma_wait3A_83, %dma_wait3A_84] : memref<2x500x64xf32, #tpu.memory_space<vmem>> -> memref<1x500x64xf32, #tpu.memory_space<vmem>>
    %dma_wait3A_86 = tpu.memref_squeeze %dma_wait3A_85 : memref<1x500x64xf32, #tpu.memory_space<vmem>> -> memref<500x64xf32, #tpu.memory_space<vmem>>
    tpu.wait_dma2 semaphore(%dma_wait3A_80 : memref<!tpu.dma_semaphore, #tpu.memory_space<semaphore_mem>>) src(%dma_wait3A_86 : memref<500x64xf32, #tpu.memory_space<vmem>>) dst(%dma_wait3A_82 : memref<500x64xf32, #tpu.memory_space<hbm>>)
    return
  }
}

</mosaic_0001>

<sc_bundles>
// kernel: _sc_gather_pair.3.cloned.1.call-start
scs
__scs_entry_jumppad:
0x0: {  	(pc) =	sbr.rel $0x88, $3  }
0x1: {  	(tag) =	ssettag $0x0;
	lr =	simm.s32 $0x1  }
0x2: {  	[smem:$0x3F9E] =	sst lr;
	_ =	strace $0xD0000000  }
0x3: {  	_ = 	snop  }
0x4: {  	_ = 	snop  }
0x5: {  	_ = 	snop  }
0x6: {  	_ = 	snop  }
0x7: {  	_ = 	snop  }
__scs_overlays_trampoline_lowered:
0x8: {  	[smem:$0x3FAD] =	sst s0  }
0x9: {  	[smem:$0x3FAE] =	sst s1  }
0xa: {  	[smem:$0x3FAF] =	sst s2  }
0xb: {  	[smem:$0x3FB0] =	sst s3  }
0xc: {  	[smem:$0x3FB1] =	sst s4  }
0xd: {  	[smem:$0x3FB2] =	sst s5  }
0xe: {  	[smem:$0x3FB3] =	sst s6  }
0xf: {  	[smem:$0x3FB4] =	sst s7  }
0x10: {  	[smem:$0x3FB5] =	sst s8  }
0x11: {  	[smem:$0x3FB6] =	sst s9;
	s0 =	simm.s32 @!p0 $0x0  }
0x12: {  	s1 =	sld [smem:$0x3F9C];
	s0 =	simm.s32 @p0 $0x1  }
0x13: {  	[smem:$0x3FB7] =	sst s0;
	s0 =	simm.s32 @!p1 $0x0  }
0x14: {  	s2 =	sld [smem:$0x3F9B];
	s0 =	simm.s32 @p1 $0x1  }
0x15: {  	[smem:$0x3FB8] =	sst s0;
	s0 =	simm.s32 @!p2 $0x0  }
0x16: {  	s3 =	sld [smem:$0x3FDB];
	s0 =	simm.s32 @p2 $0x1  }
0x17: {  	s4 =	simm.s32 $0x1BF5;
	[smem:$0x3FBA] =	sst s0  }
0x18: {  	s0 =	sld [smem:$0x3F9D];
	_ =	swait.ge [sflag:s4], $0x0  }
0x19: {  	s7 =	sld [smem:$0x3F9E]  }
0x1a: {  	s8 =	sadd.s32 $0xFFFFE003, lr  }
0x1b: {  	s9 =	sadd.s32 $0xFFFFFEF7, lr;
	s5 =	simm.s32 $0xFFFFFFFF;
	p2 =	slt.u32 s8, $0xFFFFF086  }
0x1c: {  	p1 =	slt.u32 s9, $0xF7A;
	s5 =	simm.s32 @!p2 $0x0  }
0x1d: {  	s5 =	simm.s32 @p1 $0x1;
	p0 =	seq.s32 s7, s2  }
0x1e: {  	s7 =	smul.u32 @!p0 $0xF7A, s2;
	p2 =	seq.s32 @!p0 s5, $0x0  }
0x1f: {  	s9 =	smul.u32 $0xF7A, s1;
	s8 =	simm.s32 @!p0 $0x1BF5;
	p2 =	por !p2, p0  }
0x20: {  	[sflag:s8] =	ssyncset.s32 @!p0 $0xFFFFF086;
	s6 =	sadd.s32 @!p0 s3, s7;
	s7 =	simm.s32 @!p0 $0x108  }
0x21: {  	s3 =	sadd.s32 s3, s9;
	s6 =	sadd.s32 @!p0 $0x88, s6;
	s7 =	simm.s32 @p2 $0x1082  }
0x22: {  	[simem:s7], [sflag:s8] =	dma.local @!p0 [hbm:s6], $0xF7A  }
0x23: {  	s9 =	sor.u32 $0xD0000000, s2;
	s6 =	simm.s32 $0x108;
	_ =	swait.ge @!p0 [sflag:s8], $0x0  }
0x24: {  	s3 =	sadd.s32 $0x88, s3;
	s6 =	simm.s32 @!p1 $0x1082;
	[sflag:s4] =	ssyncset.s32 $0xFFFFF086  }
0x25: {  	[simem:s6], [sflag:s4] =	dma.local [hbm:s3], $0xF7A  }
0x26: {  	[smem:$0x3F9E] =	sst s1;
	(tag) =	ssettag s2;
	_ =	strace s9  }
0x27: {  	s1 =	sld [smem:$0x3FAE]  }
0x28: {  	s2 =	sld [smem:$0x3FAF]  }
0x29: {  	s4 =	sld [smem:$0x3FB1]  }
0x2a: {  	p0 =	seq.s32 s5, $0x0;
	s5 =	sld [smem:$0x3FB2]  }
0x2b: {  	s6 =	sld [smem:$0x3FB3]  }
0x2c: {  	s7 =	sld [smem:$0x3FB4]  }
0x2d: {  	s3 =	simm.s32 $0x108;
	s8 =	sld [smem:$0x3FB5]  }
0x2e: {  	s3 =	simm.s32 @!p0 $0x1082;
	s9 =	sld [smem:$0x3FB6]  }
0x2f: {  	lr =	sadd.s32 s0, s3;
	s0 =	sld [smem:$0x3FAD]  }
0x30: {  	s3 =	sld [smem:$0x3FB0]  }
0x31: {  	[smem:$0x3FB9] =	sst s10  }
0x32: {  	s10 =	sld [smem:$0x3FB7];
	_ =	sdelay $0x3  }
0x33: {  	p0 =	seq.s32 s10, $0x1;
	s10 =	sld [smem:$0x3FB9];
	_ =	sdelay $0x3  }
0x34: {  	[smem:$0x3FB9] =	sst s10  }
0x35: {  	s10 =	sld [smem:$0x3FB8];
	_ =	sdelay $0x3  }
0x36: {  	p1 =	seq.s32 s10, $0x1;
	s10 =	sld [smem:$0x3FB9];
	_ =	sdelay $0x3  }
0x37: {  	[smem:$0x3FB9] =	sst s10  }
0x38: {  	s10 =	sld [smem:$0x3FBA]  }
0x39: {  	_ = 	snop;
	(pc) =	sbr.ind lr, $3  }
0x3a: {  	_ = 	snop  }
0x3b: {  	_ = 	snop  }
0x3c: {  	p2 =	seq.s32 s10, $0x1;
	s10 =	sld [smem:$0x3FB9]  }
0x3d: {  	_ =	shalt  }
0x3e: {  	_ =	shalt  }
0x3f: {  	_ =	shalt  }
0x40: {  	_ =	shalt  }
0x41: {  	_ =	shalt  }
0x42: {  	_ =	shalt  }
0x43: {  	_ =	shalt  }
0x44: {  	_ =	shalt  }
0x45: {  	_ =	shalt  }
0x46: {  	_ =	shalt  }
0x47: {  	_ =	shalt  }
0x48: {  	_ =	shalt  }
0x49: {  	_ =	shalt  }
0x4a: {  	_ =	shalt  }
0x4b: {  	_ =	shalt  }
0x4c: {  	_ =	shalt  }
0x4d: {  	_ =	shalt  }
0x4e: {  	_ =	shalt  }
0x4f: {  	_ =	shalt  }
0x50: {  	_ =	shalt  }
0x51: {  	_ =	shalt  }
0x52: {  	_ =	shalt  }
0x53: {  	_ =	shalt  }
0x54: {  	_ =	shalt  }
0x55: {  	_ =	shalt  }
0x56: {  	_ =	shalt  }
0x57: {  	_ =	shalt  }
0x58: {  	_ =	shalt  }
0x59: {  	_ =	shalt  }
0x5a: {  	_ =	shalt  }
0x5b: {  	_ =	shalt  }
0x5c: {  	_ =	shalt  }
0x5d: {  	_ =	shalt  }
0x5e: {  	_ =	shalt  }
0x5f: {  	_ =	shalt  }
0x60: {  	_ =	shalt  }
0x61: {  	_ =	shalt  }
0x62: {  	_ =	shalt  }
0x63: {  	_ =	shalt  }
0x64: {  	_ =	shalt  }
0x65: {  	_ =	shalt  }
0x66: {  	_ =	shalt  }
0x67: {  	_ =	shalt  }
0x68: {  	_ =	shalt  }
0x69: {  	_ =	shalt  }
0x6a: {  	_ =	shalt  }
0x6b: {  	_ =	shalt  }
0x6c: {  	_ =	shalt  }
0x6d: {  	_ =	shalt  }
0x6e: {  	_ =	shalt  }
0x6f: {  	_ =	shalt  }
0x70: {  	_ =	shalt  }
0x71: {  	_ =	shalt  }
0x72: {  	_ =	shalt  }
0x73: {  	_ =	shalt  }
0x74: {  	_ =	shalt  }
0x75: {  	_ =	shalt  }
0x76: {  	_ =	shalt  }
0x77: {  	_ =	shalt  }
0x78: {  	_ =	shalt  }
0x79: {  	_ =	shalt  }
0x7a: {  	_ =	shalt  }
0x7b: {  	_ =	shalt  }
0x7c: {  	_ =	shalt  }
0x7d: {  	_ =	shalt  }
0x7e: {  	_ =	shalt  }
0x7f: {  	_ =	shalt  }
0x80: {  	_ =	shalt  }
0x81: {  	_ =	shalt  }
0x82: {  	_ =	shalt  }
0x83: {  	_ =	shalt  }
0x84: {  	_ =	shalt  }
0x85: {  	_ =	shalt  }
0x86: {  	_ =	shalt  }
0x87: {  	_ =	shalt  }
.Lfunc_end0:
.L_simem_size_0:
called_computation_lowered:
.L_overlay_start_0:
0x88: {  	s2 =	sld [smem:$0x3FD9]  }
0x89: {  	s3 =	sld [smem:$0x3FFE];
	_ =	sdelay $0x1  }
0x8a: {  	s1 =	srdreg.scid  }
0x8b: {  	s0 =	sand.u32 $0x1, s1  }
0x8c: {  	s17 =	sshll.u32 s0, $0xA;
	s2 =	sadd.s32 s3, s2  }
0x8d: {  	s2 =	sadd.s32 s2, s17  }
0x8e: {  	[smem:$0x3FC5] =	sst s2  }
0x8f: {  	_ = 	snop  }
0x90: {  	s2 =	sld [smem:$0x3FD0];
	(tm) =	ssettm $0x1  }
0x91: {  	s18 =	sld [smem:$0x3FFB];
	_ =	sdelay $0x3  }
0x92: {  	_ =	strace s18  }
0x93: {  	s3 =	sld [smem:$0x3FFC];
	_ =	sdelay $0x3  }
0x94: {  	_ =	strace s3  }
0x95: {  	s3 =	sld [smem:$0x3FFD];
	_ =	sdelay $0x3  }
0x96: {  	_ =	strace s3  }
0x97: {  	_ =	strace $0x8FFFFFFF  }
0x98: {  	s19 =	sld [smem:$0x3FDB];
	_ =	sdelay $0x1  }
0x99: {  	s4 =	simm.s32 $_scs_section_size  }
0x9a: {  	s5 =	simm.s32 $_size__tile_overlayer_lowered;
	s6 =	simm.s32 $_tile_overlayer_lowered  }
0x9b: {  	s22 =	simm.s32 $0x1BFF;
	s21 =	sshll.u32 s6, $0x1;
	s3 =	sadd.s32 s4, s19  }
0x9c: {  	s7 =	simm.s32 $0x0;
	s20 =	sshll.u32 s5, $0x1;
	s5 =	sadd.s32 s21, s3  }
0x9d: {  	[timem:s7], [sflag:s22] =	dma.local [hbm:s5], s20  }
0x9e: {  	_ =	swait.ge [sflag:s22], s20  }
0x9f: {  	s4 =	ssub.s32 $0x0, s20;
	[sflag:s22] =	ssyncset.done $0x0  }
0xa0: {  	[sflag:s22] =	ssyncadd.s32 s4;
	_ =	sdelay $0x1  }
0xa1: {  	s23 =	simm.s32 $0x1B8B  }
0xa2: {  	_ =	swait.ge [sflag:s23], $0x1  }
0xa3: {  	[sflag:s23] =	ssyncset.done $0x0  }
0xa4: {  	s25 =	simm.s32 $0x1B8E;
	s24 =	sld [smem:$0x3FFE];
	[sflag:s23] =	ssyncadd.s32 $0xFFFFFFFF  }
0xa5: {  	s26 =	simm.s32 $execute0_lowered;
	[smem:$0x3FD2] =	sst s25  }
0xa6: {  	s5 =	sshll.u32 s26, $0x1;
	_ =	strace $0x80000046;
	[dreg:$0x1] =	wrdreg $0xFFFFFFFF  }
0xa7: {  	s28 =	simm.s32 $_size_execute0_lowered;
	s3 =	sadd.s32 s3, s5;
	[dreg:$0x0] =	wrdreg $0x0  }
0xa8: {  	s5 =	sshll.u32 s28, $0x1;
	[dreg:$0x2] =	wrdreg s3  }
0xa9: {  	[dreg:$0x3] =	wrdreg s5  }
0xaa: {  	[dreg:$0x4] =	wrdreg $0xC0  }
0xab: {  	_ =	task [dreg:s7], $0x5FFFF  }
0xac: {  	[dreg:$0x1] =	wrdreg $0xFFFFFFFF  }
0xad: {  	[dreg:$0x0] =	wrdreg $0x60  }
0xae: {  	[dreg:$0x2] =	wrdreg s24  }
0xaf: {  	[dreg:$0x3] =	wrdreg s2  }
0xb0: {  	[dreg:$0x4] =	wrdreg $0x9  }
0xb1: {  	_ =	task.clear_ibuf [dreg:s7], $0x5FFFF;
	_ =	strace $0x90000046  }
0xb2: {  	s29 =	simm.s32 $0x9;
	_ =	strace $0x80000048  }
0xb3: {  	_ =	swait.ge [sflag:s29], $0x1  }
0xb4: {  	[sflag:s29] =	ssyncadd.s32 $0xFFFFFFFF  }
0xb5: {  	_ =	strace $0x90000048  }
0xb6: {  	_ =	sfence  }
0xb7: {  	s30 =	sld [smem:$0x0];
	_ =	sdelay $0x2  }
0xb8: {  	s31 =	sshll.u32 s1, $0xD;
	s1 =	sshrl.u32 s1, $0x2  }
0xb9: {  	s3 =	sand.u32 $0x4000, s31;
	s1 =	sadd.s32 s1, s30  }
0xba: {  	s0 =	sor.u32 s3, s0;
	s1 =	sshll.u32 s1, $0x11  }
0xbb: {  	s0 =	sor.u32 s1, s0  }
0xbc: {  	s0 =	sadd.s32 $0x8F2B, s0  }
0xbd: {  	[sflag:s0] =	ssyncadd.remote.s32 $0x1  }
0xbe: {  	_ =	sfence.sel $0xFFFF  }
0xbf: {  	[dreg:$0x0] =	wrdreg $0xFFFFFFFF;
	(pc) =	sbr.abs _section_cstart, $3  }
0xc0: {  	[dreg:$0x1] =	wrdreg $0xFFFFFFFF  }
0xc1: {  	_ =	task.clear_ibuf [dreg:s7], $0x2FFFF;
	_ =	strace $0x9FFFFFFF  }
0xc2: {  	(tm) =	ssettm $0x7FFFFFFF  }
0xc3: {  	_ =	shalt  }
tec
execute0_lowered:
.L_overlay_start_1:
0x0: {  	(tag) =	ssettag $0x1  }
0x1: {  	s0 =	srdreg.scid;
	s2 =	rddreg [dreg:$0x0]  }
0x2: {  	s1 =	stileid.u32;
	s3 =	rddreg [dreg:$0x1]  }
0x3: {  	s21 =	simm.s32 $0x0;
	s13 =	simm.s32 $0x4;
	s14 =	simm.s32 $0xA00  }
0x4: {  	s10 =	simm.s32 $0x4880;
	s0 =	sand.u32 $0x1, s0;
	s1 =	sshll.u32 s1, $0x1  }
0x5: {  	s12 =	simm.s32 $0x67C0;
	s17 =	simm.s32 $0x8700;
	s1 =	sor.u32 s0, s1  }
0x6: {  	s16 =	simm.s32 $0xA640;
	s19 =	simm.s32 $0xC580;
	s4 =	smul.u32 $0x140, s1  }
0x7: {  	p0 =	por $0x0, $0x0;
	[smem:$0x7FF] =	sst s21;
	s1 =	smul.u32 $0x9C40, s1  }
0x8: {  	s9 =	sadd.s32 $0x8, s3;
	_ =	strace $0x80000047;
	s0 =	ssub.s32 $0x2, s0  }
0x9: {  	s29 =	sshrl.u32 s0, $0x1;
	s4 =	sadd.s32 s4, s2;
	s20 =	sadd.s32 s3, s1  }
0xa: {  	s22 =	sadd.s32 $0x1F40, s1;
	s6 =	sadd.s32 $0x3E80, s1;
	s7 =	sadd.s32 $0x5DC0, s1  }
0xb: {  	s8 =	sadd.s32 $0x7D00, s1;
	s1 =	sadd.s32 s1, s9;
	[dreg:$0x5] =	wrdreg s20  }
0xc: {  	s0 =	ssub.s32 s0, s29;
	s5 =	sadd.s32 $0x600, s4;
	[dreg:$0xa] =	wrdreg s1  }
0xd: {  	s2 =	sadd.s32 $0x5600, s2;
	s4 =	sadd.s32 $0x2E00, s4;
	[dreg:$0x3] =	wrdreg s5  }
0xe: {  	s11 =	smax.u32 s0, $0x1;
	s23 =	sadd.s32 s3, s22;
	[dreg:$0x4] =	wrdreg s4  }
0xf: {  	s24 =	sadd.s32 s3, s6;
	s25 =	sadd.s32 s3, s7;
	[dreg:$0x6] =	wrdreg s23  }
0x10: {  	s3 =	sadd.s32 s3, s8;
	s26 =	sadd.s32 s22, s9;
	[dreg:$0x7] =	wrdreg s24  }
0x11: {  	s28 =	sadd.s32 s6, s9;
	s30 =	sadd.s32 s7, s9;
	[dreg:$0x8] =	wrdreg s25  }
0x12: {  	s31 =	sadd.s32 s8, s9;
	p1 =	sne.s32 s11, $0x1;
	[dreg:$0x9] =	wrdreg s3  }
.Ltmp0:
0x13: {  	s7 =	simm.s32 $0x7D;
	[dreg:$0xb] =	wrdreg s26;
	(pc) =	sbr.rel @!p1 .LBB2_5-.Ltmp0, $4  }
0x14: {  	s9 =	simm.s32 $0x2940;
	s6 =	simm.s32 $0x40;
	[dreg:$0xc] =	wrdreg s28  }
0x15: {  	s20 =	simm.s32 $0xE4C0;
	s8 =	simm.s32 $0x2;
	[dreg:$0xd] =	wrdreg s30  }
0x16: {  	[dreg:$0xe] =	wrdreg s31;
	s4 =	simm.s32 $0x80;
	s5 =	simm.s32 $0x1  }
0x17: {  	s24 =	sadd.s32 $0xFFFFFFFF, s11;
	s11 =	simm.s32 $0x3;
	s23 =	rddreg [dreg:$0x3]  }
0x18: {  	[tilespmem:s21], [sflag:$0x4] =	stream.linear.gather [hbm4b:s23+s21], $0xA00, $0x38;
	[tilespmem:$0x10400] =	vst v63  }
0x19: {  	_ =	swait.ge [sflag:s13], $0xA00  }
0x1a: {  	[sflag:s13] =	ssyncset.done $0x0  }
0x1b: {  	[sflag:s13] =	ssyncadd.s32 $0xFFFFF600  }
0x1c: {  	[tilespmem:s14], [sflag:$0x1] =	stream.indirect.gather [hbm4b:s2+s7], $0x40, s21, s7, $0xb8;
	[tilespmem:$0x10400] =	vst v63  }
0x1d: {  	_ = 	snop  }
0x1e: {  	[tilespmem:s9], [sflag:$0x1] =	stream.indirect.gather [hbm4b:s2+s7], $0x40, s4, s7, $0xb8;
	[tilespmem:$0x10400] =	vst v63  }
0x1f: {  	s3 =	simm.s32 $0x100  }
0x20: {  	[tilespmem:s10], [sflag:$0x1] =	stream.indirect.gather [hbm4b:s2+s7], $0x40, s3, s7, $0xb8;
	[tilespmem:$0x10400] =	vst v63  }
0x21: {  	s29 =	simm.s32 $0x180  }
0x22: {  	[tilespmem:s12], [sflag:$0x1] =	stream.indirect.gather [hbm4b:s2+s7], $0x40, s29, s7, $0xb8;
	[tilespmem:$0x10400] =	vst v63  }
0x23: {  	_ =	swait.ge [sflag:s5], $0x1F40  }
0x24: {  	[sflag:s5] =	ssyncset.done $0x0  }
0x25: {  	[sflag:s5] =	ssyncadd.s32 $0xFFFFE0C0  }
0x26: {  	_ =	swait.ge [sflag:s5], $0x1F40  }
0x27: {  	[sflag:s5] =	ssyncset.done $0x0  }
0x28: {  	[sflag:s5] =	ssyncadd.s32 $0xFFFFE0C0  }
0x29: {  	_ =	swait.ge [sflag:s5], $0x1F40  }
0x2a: {  	[sflag:s5] =	ssyncset.done $0x0  }
0x2b: {  	[sflag:s5] =	ssyncadd.s32 $0xFFFFE0C0  }
0x2c: {  	_ =	swait.ge [sflag:s5], $0x1F40  }
0x2d: {  	[sflag:s5] =	ssyncset.done $0x0  }
0x2e: {  	s30 =	rddreg [dreg:$0x5];
	[sflag:s5] =	ssyncadd.s32 $0xFFFFE0C0  }
0x2f: {  	[hbm4b:s30+s6] =	stream.strided.scatter [tilespmem:s14], [sflag:$0x2], $0x7D00, s4, s6, $0x38;
	[tilespmem:$0x10400] =	vst v63  }
0x30: {  	s0 =	simm.s32 $0x200  }
0x31: {  	[tilespmem:s17], [sflag:$0x1] =	stream.indirect.gather [hbm4b:s2+s7], $0x40, s0, s7, $0xb8;
	[tilespmem:$0x10400] =	vst v63  }
0x32: {  	s31 =	simm.s32 $0x280  }
0x33: {  	[tilespmem:s16], [sflag:$0x1] =	stream.indirect.gather [hbm4b:s2+s7], $0x40, s31, s7, $0xb8;
	[tilespmem:$0x10400] =	vst v63  }
0x34: {  	s30 =	simm.s32 $0x300  }
0x35: {  	[tilespmem:s19], [sflag:$0x1] =	stream.indirect.gather [hbm4b:s2+s7], $0x40, s30, s7, $0xb8;
	[tilespmem:$0x10400] =	vst v63  }
0x36: {  	s25 =	simm.s32 $0x380  }
0x37: {  	[tilespmem:s20], [sflag:$0x1] =	stream.indirect.gather [hbm4b:s2+s7], $0x40, s25, s7, $0xb8;
	[tilespmem:$0x10400] =	vst v63  }
0x38: {  	_ =	swait.ge [sflag:s5], $0x1F40  }
0x39: {  	[sflag:s5] =	ssyncset.done $0x0  }
0x3a: {  	[sflag:s5] =	ssyncadd.s32 $0xFFFFE0C0  }
0x3b: {  	_ =	swait.ge [sflag:s5], $0x1F40  }
0x3c: {  	[sflag:s5] =	ssyncset.done $0x0  }
0x3d: {  	[sflag:s5] =	ssyncadd.s32 $0xFFFFE0C0  }
0x3e: {  	_ =	swait.ge [sflag:s5], $0x1F40  }
0x3f: {  	[sflag:s5] =	ssyncset.done $0x0  }
0x40: {  	[sflag:s5] =	ssyncadd.s32 $0xFFFFE0C0  }
0x41: {  	_ =	swait.ge [sflag:s5], $0x1F40  }
0x42: {  	[sflag:s5] =	ssyncset.done $0x0  }
0x43: {  	s0 =	rddreg [dreg:$0x6];
	[sflag:s5] =	ssyncadd.s32 $0xFFFFE0C0  }
0x44: {  	[hbm4b:s0+s6] =	stream.strided.scatter [tilespmem:s17], [sflag:$0x3], $0x7D00, s4, s6, $0x38;
	[tilespmem:$0x10400] =	vst v63  }
0x45: {  	_ =	swait.ge [sflag:s8], $0x7D00  }
0x46: {  	[sflag:s8] =	ssyncset.done $0x0  }
0x47: {  	s16 =	simm.s32 $0x400;
	[sflag:s8] =	ssyncadd.s32 $0xFFFF8300  }
0x48: {  	[tilespmem:s14], [sflag:$0x1] =	stream.indirect.gather [hbm4b:s2+s7], $0x40, s16, s7, $0xb8;
	[tilespmem:$0x10400] =	vst v63  }
0x49: {  	s17 =	simm.s32 $0x480  }
0x4a: {  	[tilespmem:s9], [sflag:$0x1] =	stream.indirect.gather [hbm4b:s2+s7], $0x40, s17, s7, $0xb8;
	[tilespmem:$0x10400] =	vst v63  }
0x4b: {  	s26 =	simm.s32 $0x500  }
0x4c: {  	[tilespmem:s10], [sflag:$0x1] =	stream.indirect.gather [hbm4b:s2+s7], $0x40, s26, s7, $0xb8;
	[tilespmem:$0x10400] =	vst v63  }
0x4d: {  	s31 =	simm.s32 $0x580  }
0x4e: {  	[tilespmem:s12], [sflag:$0x1] =	stream.indirect.gather [hbm4b:s2+s7], $0x40, s31, s7, $0xb8;
	[tilespmem:$0x10400] =	vst v63  }
0x4f: {  	_ =	swait.ge [sflag:s5], $0x1F40  }
0x50: {  	[sflag:s5] =	ssyncset.done $0x0  }
0x51: {  	[sflag:s5] =	ssyncadd.s32 $0xFFFFE0C0  }
0x52: {  	_ =	swait.ge [sflag:s5], $0x1F40  }
0x53: {  	[sflag:s5] =	ssyncset.done $0x0  }
0x54: {  	[sflag:s5] =	ssyncadd.s32 $0xFFFFE0C0  }
0x55: {  	_ =	swait.ge [sflag:s5], $0x1F40  }
0x56: {  	[sflag:s5] =	ssyncset.done $0x0  }
0x57: {  	[sflag:s5] =	ssyncadd.s32 $0xFFFFE0C0  }
0x58: {  	_ =	swait.ge [sflag:s5], $0x1F40  }
0x59: {  	[sflag:s5] =	ssyncset.done $0x0  }
0x5a: {  	s10 =	rddreg [dreg:$0x7];
	[sflag:s5] =	ssyncadd.s32 $0xFFFFE0C0  }
0x5b: {  	[hbm4b:s10+s6] =	stream.strided.scatter [tilespmem:s14], [sflag:$0x2], $0x7D00, s4, s6, $0x38;
	[tilespmem:$0x10400] =	vst v63  }
0x5c: {  	_ =	swait.ge [sflag:s11], $0x7D00  }
0x5d: {  	[sflag:s11] =	ssyncset.done $0x0  }
0x5e: {  	s13 =	simm.s32 $0x8700;
	s12 =	simm.s32 $0x600;
	[sflag:s11] =	ssyncadd.s32 $0xFFFF8300  }
0x5f: {  	[tilespmem:s13], [sflag:$0x1] =	stream.indirect.gather [hbm4b:s2+s7], $0x40, s12, s7, $0xb8;
	[tilespmem:$0x10400] =	vst v63  }
0x60: {  	s28 =	simm.s32 $0x680;
	s19 =	simm.s32 $0xA640  }
0x61: {  	[tilespmem:s19], [sflag:$0x1] =	stream.indirect.gather [hbm4b:s2+s7], $0x40, s28, s7, $0xb8;
	[tilespmem:$0x10400] =	vst v63  }
0x62: {  	s1 =	simm.s32 $0xC580;
	s15 =	simm.s32 $0x700  }
0x63: {  	[tilespmem:s1], [sflag:$0x1] =	stream.indirect.gather [hbm4b:s2+s7], $0x40, s15, s7, $0xb8;
	[tilespmem:$0x10400] =	vst v63  }
0x64: {  	s21 =	simm.s32 $0x780;
	s20 =	simm.s32 $0xE4C0  }
0x65: {  	[tilespmem:s20], [sflag:$0x1] =	stream.indirect.gather [hbm4b:s2+s7], $0x40, s21, s7, $0xb8;
	[tilespmem:$0x10400] =	vst v63  }
0x66: {  	_ =	swait.ge [sflag:s5], $0x1F40  }
0x67: {  	[sflag:s5] =	ssyncset.done $0x0  }
0x68: {  	[sflag:s5] =	ssyncadd.s32 $0xFFFFE0C0  }
0x69: {  	_ =	swait.ge [sflag:s5], $0x1F40  }
0x6a: {  	[sflag:s5] =	ssyncset.done $0x0  }
0x6b: {  	[sflag:s5] =	ssyncadd.s32 $0xFFFFE0C0  }
0x6c: {  	_ =	swait.ge [sflag:s5], $0x1F40  }
0x6d: {  	[sflag:s5] =	ssyncset.done $0x0  }
0x6e: {  	[sflag:s5] =	ssyncadd.s32 $0xFFFFE0C0  }
0x6f: {  	_ =	swait.ge [sflag:s5], $0x1F40  }
0x70: {  	[sflag:s5] =	ssyncset.done $0x0  }
0x71: {  	s18 =	rddreg [dreg:$0x8];
	[sflag:s5] =	ssyncadd.s32 $0xFFFFE0C0  }
0x72: {  	[hbm4b:s18+s6] =	stream.strided.scatter [tilespmem:s13], [sflag:$0x3], $0x7D00, s4, s6, $0x38;
	[tilespmem:$0x10400] =	vst v63  }
0x73: {  	_ =	swait.ge [sflag:s8], $0x7D00  }
0x74: {  	[sflag:s8] =	ssyncset.done $0x0  }
0x75: {  	s9 =	simm.s32 $0x800;
	[sflag:s8] =	ssyncadd.s32 $0xFFFF8300  }
0x76: {  	[tilespmem:s14], [sflag:$0x1] =	stream.indirect.gather [hbm4b:s2+s7], $0x40, s9, s7, $0xb8;
	[tilespmem:$0x10400] =	vst v63  }
0x77: {  	s10 =	simm.s32 $0x2940;
	s18 =	simm.s32 $0x880  }
0x78: {  	[tilespmem:s10], [sflag:$0x1] =	stream.indirect.gather [hbm4b:s2+s7], $0x40, s18, s7, $0xb8;
	[tilespmem:$0x10400] =	vst v63  }
0x79: {  	s12 =	simm.s32 $0x4880;
	s6 =	simm.s32 $0x900  }
0x7a: {  	[tilespmem:s12], [sflag:$0x1] =	stream.indirect.gather [hbm4b:s2+s7], $0x40, s6, s7, $0xb8;
	[tilespmem:$0x10400] =	vst v63  }
0x7b: {  	s23 =	simm.s32 $0x67C0;
	s15 =	simm.s32 $0x980  }
0x7c: {  	[tilespmem:s23], [sflag:$0x1] =	stream.indirect.gather [hbm4b:s2+s7], $0x40, s15, s7, $0xb8;
	[tilespmem:$0x10400] =	vst v63  }
0x7d: {  	_ =	swait.ge [sflag:s5], $0x1F40  }
0x7e: {  	[sflag:s5] =	ssyncset.done $0x0  }
0x7f: {  	[sflag:s5] =	ssyncadd.s32 $0xFFFFE0C0  }
0x80: {  	_ =	swait.ge [sflag:s5], $0x1F40  }
0x81: {  	[sflag:s5] =	ssyncset.done $0x0  }
0x82: {  	[sflag:s5] =	ssyncadd.s32 $0xFFFFE0C0  }
0x83: {  	_ =	swait.ge [sflag:s5], $0x1F40  }
0x84: {  	[sflag:s5] =	ssyncset.done $0x0  }
0x85: {  	[sflag:s5] =	ssyncadd.s32 $0xFFFFE0C0  }
0x86: {  	_ =	swait.ge [sflag:s5], $0x1F40  }
0x87: {  	[sflag:s5] =	ssyncset.done $0x0  }
0x88: {  	s0 =	simm.s32 $0x40;
	s23 =	rddreg [dreg:$0x9];
	[sflag:s5] =	ssyncadd.s32 $0xFFFFE0C0  }
0x89: {  	[hbm4b:s23+s0] =	stream.strided.scatter [tilespmem:s14], [sflag:$0x2], $0x7D00, s4, s0, $0x38;
	[tilespmem:$0x10400] =	vst v63  }
0x8a: {  	_ =	swait.ge [sflag:s8], $0x7D00  }
0x8b: {  	[sflag:s8] =	ssyncset.done $0x0  }
0x8c: {  	[sflag:s8] =	ssyncadd.s32 $0xFFFF8300  }
0x8d: {  	_ =	swait.ge [sflag:s11], $0x7D00  }
0x8e: {  	s22 =	simm.s32 $0x4;
	[sflag:s11] =	ssyncset.done $0x0  }
0x8f: {  	s1 =	simm.s32 $0x0;
	s23 =	rddreg [dreg:$0x4];
	[sflag:s11] =	ssyncadd.s32 $0xFFFF8300  }
0x90: {  	[tilespmem:s1], [sflag:$0x4] =	stream.linear.gather [hbm4b:s23+s1], $0xA00, $0x38;
	[tilespmem:$0x10400] =	vst v63  }
0x91: {  	_ =	swait.ge [sflag:s22], $0xA00  }
0x92: {  	[sflag:s22] =	ssyncset.done $0x0  }
0x93: {  	[sflag:s22] =	ssyncadd.s32 $0xFFFFF600  }
0x94: {  	[tilespmem:s14], [sflag:$0x1] =	stream.indirect.gather [hbm4b:s2+s7], $0x40, s1, s7, $0xb8;
	[tilespmem:$0x10400] =	vst v63  }
0x95: {  	_ = 	snop  }
0x96: {  	[tilespmem:s10], [sflag:$0x1] =	stream.indirect.gather [hbm4b:s2+s7], $0x40, s4, s7, $0xb8;
	[tilespmem:$0x10400] =	vst v63  }
0x97: {  	_ = 	snop  }
0x98: {  	[tilespmem:s12], [sflag:$0x1] =	stream.indirect.gather [hbm4b:s2+s7], $0x40, s3, s7, $0xb8;
	[tilespmem:$0x10400] =	vst v63  }
0x99: {  	s12 =	simm.s32 $0x67C0  }
0x9a: {  	[tilespmem:s12], [sflag:$0x1] =	stream.indirect.gather [hbm4b:s2+s7], $0x40, s29, s7, $0xb8;
	[tilespmem:$0x10400] =	vst v63  }
0x9b: {  	_ =	swait.ge [sflag:s5], $0x1F40  }
0x9c: {  	[sflag:s5] =	ssyncset.done $0x0  }
0x9d: {  	[sflag:s5] =	ssyncadd.s32 $0xFFFFE0C0  }
0x9e: {  	_ =	swait.ge [sflag:s5], $0x1F40  }
0x9f: {  	[sflag:s5] =	ssyncset.done $0x0  }
0xa0: {  	[sflag:s5] =	ssyncadd.s32 $0xFFFFE0C0  }
0xa1: {  	_ =	swait.ge [sflag:s5], $0x1F40  }
0xa2: {  	[sflag:s5] =	ssyncset.done $0x0  }
0xa3: {  	[sflag:s5] =	ssyncadd.s32 $0xFFFFE0C0  }
0xa4: {  	_ =	swait.ge [sflag:s5], $0x1F40  }
0xa5: {  	[sflag:s5] =	ssyncset.done $0x0  }
0xa6: {  	s22 =	rddreg [dreg:$0xa];
	[sflag:s5] =	ssyncadd.s32 $0xFFFFE0C0  }
0xa7: {  	[hbm4b:s22+s0] =	stream.strided.scatter [tilespmem:s14], [sflag:$0x2], $0x7D00, s4, s0, $0x38;
	[tilespmem:$0x10400] =	vst v63  }
0xa8: {  	s29 =	simm.s32 $0x200  }
0xa9: {  	[tilespmem:s13], [sflag:$0x1] =	stream.indirect.gather [hbm4b:s2+s7], $0x40, s29, s7, $0xb8;
	[tilespmem:$0x10400] =	vst v63  }
0xaa: {  	s3 =	simm.s32 $0x280  }
0xab: {  	[tilespmem:s19], [sflag:$0x1] =	stream.indirect.gather [hbm4b:s2+s7], $0x40, s3, s7, $0xb8;
	[tilespmem:$0x10400] =	vst v63  }
0xac: {  	s19 =	simm.s32 $0xC580  }
0xad: {  	[tilespmem:s19], [sflag:$0x1] =	stream.indirect.gather [hbm4b:s2+s7], $0x40, s30, s7, $0xb8;
	[tilespmem:$0x10400] =	vst v63  }
0xae: {  	_ = 	snop  }
0xaf: {  	[tilespmem:s20], [sflag:$0x1] =	stream.indirect.gather [hbm4b:s2+s7], $0x40, s25, s7, $0xb8;
	[tilespmem:$0x10400] =	vst v63  }
0xb0: {  	_ =	swait.ge [sflag:s5], $0x1F40  }
0xb1: {  	[sflag:s5] =	ssyncset.done $0x0  }
0xb2: {  	[sflag:s5] =	ssyncadd.s32 $0xFFFFE0C0  }
0xb3: {  	_ =	swait.ge [sflag:s5], $0x1F40  }
0xb4: {  	[sflag:s5] =	ssyncset.done $0x0  }
0xb5: {  	[sflag:s5] =	ssyncadd.s32 $0xFFFFE0C0  }
0xb6: {  	_ =	swait.ge [sflag:s5], $0x1F40  }
0xb7: {  	[sflag:s5] =	ssyncset.done $0x0  }
0xb8: {  	[sflag:s5] =	ssyncadd.s32 $0xFFFFE0C0  }
0xb9: {  	_ =	swait.ge [sflag:s5], $0x1F40  }
0xba: {  	[sflag:s5] =	ssyncset.done $0x0  }
0xbb: {  	s22 =	rddreg [dreg:$0xb];
	[sflag:s5] =	ssyncadd.s32 $0xFFFFE0C0  }
0xbc: {  	[hbm4b:s22+s0] =	stream.strided.scatter [tilespmem:s13], [sflag:$0x3], $0x7D00, s4, s0, $0x38;
	[tilespmem:$0x10400] =	vst v63  }
0xbd: {  	_ =	swait.ge [sflag:s8], $0x7D00  }
0xbe: {  	[sflag:s8] =	ssyncset.done $0x0  }
0xbf: {  	[sflag:s8] =	ssyncadd.s32 $0xFFFF8300  }
0xc0: {  	[tilespmem:s14], [sflag:$0x1] =	stream.indirect.gather [hbm4b:s2+s7], $0x40, s16, s7, $0xb8;
	[tilespmem:$0x10400] =	vst v63  }
0xc1: {  	_ = 	snop  }
0xc2: {  	[tilespmem:s10], [sflag:$0x1] =	stream.indirect.gather [hbm4b:s2+s7], $0x40, s17, s7, $0xb8;
	[tilespmem:$0x10400] =	vst v63  }
0xc3: {  	s10 =	simm.s32 $0x4880  }
0xc4: {  	[tilespmem:s10], [sflag:$0x1] =	stream.indirect.gather [hbm4b:s2+s7], $0x40, s26, s7, $0xb8;
	[tilespmem:$0x10400] =	vst v63  }
0xc5: {  	_ = 	snop  }
0xc6: {  	[tilespmem:s12], [sflag:$0x1] =	stream.indirect.gather [hbm4b:s2+s7], $0x40, s31, s7, $0xb8;
	[tilespmem:$0x10400] =	vst v63  }
0xc7: {  	_ =	swait.ge [sflag:s5], $0x1F40  }
0xc8: {  	[sflag:s5] =	ssyncset.done $0x0  }
0xc9: {  	[sflag:s5] =	ssyncadd.s32 $0xFFFFE0C0  }
0xca: {  	_ =	swait.ge [sflag:s5], $0x1F40  }
0xcb: {  	[sflag:s5] =	ssyncset.done $0x0  }
0xcc: {  	[sflag:s5] =	ssyncadd.s32 $0xFFFFE0C0  }
0xcd: {  	_ =	swait.ge [sflag:s5], $0x1F40  }
0xce: {  	[sflag:s5] =	ssyncset.done $0x0  }
0xcf: {  	[sflag:s5] =	ssyncadd.s32 $0xFFFFE0C0  }
0xd0: {  	_ =	swait.ge [sflag:s5], $0x1F40  }
0xd1: {  	[sflag:s5] =	ssyncset.done $0x0  }
0xd2: {  	s25 =	rddreg [dreg:$0xc];
	[sflag:s5] =	ssyncadd.s32 $0xFFFFE0C0  }
0xd3: {  	[hbm4b:s25+s0] =	stream.strided.scatter [tilespmem:s14], [sflag:$0x2], $0x7D00, s4, s0, $0x38;
	[tilespmem:$0x10400] =	vst v63  }
0xd4: {  	_ =	swait.ge [sflag:s11], $0x7D00  }
0xd5: {  	[sflag:s11] =	ssyncset.done $0x0  }
0xd6: {  	s17 =	simm.s32 $0x8700;
	s26 =	simm.s32 $0x600;
	[sflag:s11] =	ssyncadd.s32 $0xFFFF8300  }
0xd7: {  	[tilespmem:s17], [sflag:$0x1] =	stream.indirect.gather [hbm4b:s2+s7], $0x40, s26, s7, $0xb8;
	[tilespmem:$0x10400] =	vst v63  }
0xd8: {  	s16 =	simm.s32 $0xA640  }
0xd9: {  	[tilespmem:s16], [sflag:$0x1] =	stream.indirect.gather [hbm4b:s2+s7], $0x40, s28, s7, $0xb8;
	[tilespmem:$0x10400] =	vst v63  }
0xda: {  	s29 =	simm.s32 $0x700  }
0xdb: {  	[tilespmem:s19], [sflag:$0x1] =	stream.indirect.gather [hbm4b:s2+s7], $0x40, s29, s7, $0xb8;
	[tilespmem:$0x10400] =	vst v63  }
0xdc: {  	_ = 	snop  }
0xdd: {  	[tilespmem:s20], [sflag:$0x1] =	stream.indirect.gather [hbm4b:s2+s7], $0x40, s21, s7, $0xb8;
	[tilespmem:$0x10400] =	vst v63  }
0xde: {  	_ =	swait.ge [sflag:s5], $0x1F40  }
0xdf: {  	[sflag:s5] =	ssyncset.done $0x0  }
0xe0: {  	[sflag:s5] =	ssyncadd.s32 $0xFFFFE0C0  }
0xe1: {  	_ =	swait.ge [sflag:s5], $0x1F40  }
0xe2: {  	[sflag:s5] =	ssyncset.done $0x0  }
0xe3: {  	[sflag:s5] =	ssyncadd.s32 $0xFFFFE0C0  }
0xe4: {  	_ =	swait.ge [sflag:s5], $0x1F40  }
0xe5: {  	[sflag:s5] =	ssyncset.done $0x0  }
0xe6: {  	[sflag:s5] =	ssyncadd.s32 $0xFFFFE0C0  }
0xe7: {  	_ =	swait.ge [sflag:s5], $0x1F40  }
0xe8: {  	[sflag:s5] =	ssyncset.done $0x0  }
0xe9: {  	s30 =	rddreg [dreg:$0xd];
	[sflag:s5] =	ssyncadd.s32 $0xFFFFE0C0  }
0xea: {  	[hbm4b:s30+s0] =	stream.strided.scatter [tilespmem:s17], [sflag:$0x3], $0x7D00, s4, s0, $0x38;
	[tilespmem:$0x10400] =	vst v63  }
0xeb: {  	_ =	swait.ge [sflag:s8], $0x7D00  }
0xec: {  	[sflag:s8] =	ssyncset.done $0x0  }
0xed: {  	[sflag:s8] =	ssyncadd.s32 $0xFFFF8300  }
0xee: {  	[tilespmem:s14], [sflag:$0x1] =	stream.indirect.gather [hbm4b:s2+s7], $0x40, s9, s7, $0xb8;
	[tilespmem:$0x10400] =	vst v63  }
0xef: {  	s9 =	simm.s32 $0x2940  }
0xf0: {  	[tilespmem:s9], [sflag:$0x1] =	stream.indirect.gather [hbm4b:s2+s7], $0x40, s18, s7, $0xb8;
	[tilespmem:$0x10400] =	vst v63  }
0xf1: {  	_ = 	snop  }
0xf2: {  	[tilespmem:s10], [sflag:$0x1] =	stream.indirect.gather [hbm4b:s2+s7], $0x40, s6, s7, $0xb8;
	[tilespmem:$0x10400] =	vst v63  }
0xf3: {  	_ = 	snop  }
0xf4: {  	[tilespmem:s12], [sflag:$0x1] =	stream.indirect.gather [hbm4b:s2+s7], $0x40, s15, s7, $0xb8;
	[tilespmem:$0x10400] =	vst v63  }
0xf5: {  	_ =	swait.ge [sflag:s5], $0x1F40  }
0xf6: {  	[sflag:s5] =	ssyncset.done $0x0  }
0xf7: {  	[sflag:s5] =	ssyncadd.s32 $0xFFFFE0C0  }
0xf8: {  	_ =	swait.ge [sflag:s5], $0x1F40  }
0xf9: {  	[sflag:s5] =	ssyncset.done $0x0  }
0xfa: {  	[sflag:s5] =	ssyncadd.s32 $0xFFFFE0C0  }
0xfb: {  	_ =	swait.ge [sflag:s5], $0x1F40  }
0xfc: {  	[sflag:s5] =	ssyncset.done $0x0  }
0xfd: {  	[sflag:s5] =	ssyncadd.s32 $0xFFFFE0C0  }
0xfe: {  	_ =	swait.ge [sflag:s5], $0x1F40  }
0xff: {  	p1 =	sne.s32 s24, $0x1;
	[sflag:s5] =	ssyncset.done $0x0  }
0x100: {  	s6 =	simm.s32 $0x40;
	s31 =	rddreg [dreg:$0xe];
	[sflag:s5] =	ssyncadd.s32 $0xFFFFE0C0  }
0x101: {  	[hbm4b:s31+s6] =	stream.strided.scatter [tilespmem:s14], [sflag:$0x2], $0x7D00, s4, s6, $0x38;
	[tilespmem:$0x10400] =	vst v63  }
.Ltmp1:
0x102: {  	_ =	swait.ge [sflag:s8], $0x7D00;
	(pc) =	sbr.rel @!p1 .LBB2_6-.Ltmp1, $4  }
0x103: {  	[sflag:s8] =	ssyncset.done $0x0  }
0x104: {  	[sflag:s8] =	ssyncadd.s32 $0xFFFF8300  }
0x105: {  	p0 =	por $0x1, $0x1;
	_ =	swait.ge [sflag:s11], $0x7D00  }
0x106: {  	s22 =	sadd.s32 $0xFFFFFFFF, s24;
	s23 =	rddreg [dreg:$0x3];
	[sflag:s11] =	ssyncset.done $0x0  }
0x107: {  	s3 =	simm.s32 $0x4;
	s29 =	simm.s32 $0x180;
	s24 =	simm.s32 $0x280  }
0x108: {  	s30 =	simm.s32 $0x300;
	s25 =	simm.s32 $0x380;
	s13 =	simm.s32 $0x8700  }
0x109: {  	s26 =	simm.s32 $0x500;
	s31 =	simm.s32 $0x580;
	s28 =	simm.s32 $0x680  }
0x10a: {  	s18 =	simm.s32 $0x700;
	s21 =	simm.s32 $0x780;
	s15 =	simm.s32 $0x880  }
.LBB2_3:
0x10b: {  	[sflag:s11] =	ssyncadd.s32 $0xFFFF8300;
	s1 =	simm.s32 $0x0  }
0x10c: {  	[tilespmem:s1], [sflag:$0x4] =	stream.linear.gather [hbm4b:s23+s1], $0xA00, $0x38;
	[tilespmem:$0x10400] =	vst v63  }
0x10d: {  	_ =	swait.ge [sflag:s3], $0xA00  }
0x10e: {  	[sflag:s3] =	ssyncset.done $0x0  }
0x10f: {  	[sflag:s3] =	ssyncadd.s32 $0xFFFFF600  }
0x110: {  	[tilespmem:s14], [sflag:$0x1] =	stream.indirect.gather [hbm4b:s2+s7], $0x40, s1, s7, $0xb8;
	[tilespmem:$0x10400] =	vst v63  }
0x111: {  	_ = 	snop  }
0x112: {  	[tilespmem:s9], [sflag:$0x1] =	stream.indirect.gather [hbm4b:s2+s7], $0x40, s4, s7, $0xb8;
	[tilespmem:$0x10400] =	vst v63  }
0x113: {  	s0 =	simm.s32 $0x100  }
0x114: {  	[tilespmem:s10], [sflag:$0x1] =	stream.indirect.gather [hbm4b:s2+s7], $0x40, s0, s7, $0xb8;
	[tilespmem:$0x10400] =	vst v63  }
0x115: {  	_ = 	snop  }
0x116: {  	[tilespmem:s12], [sflag:$0x1] =	stream.indirect.gather [hbm4b:s2+s7], $0x40, s29, s7, $0xb8;
	[tilespmem:$0x10400] =	vst v63  }
0x117: {  	_ =	swait.ge [sflag:s5], $0x1F40  }
0x118: {  	[sflag:s5] =	ssyncset.done $0x0  }
0x119: {  	[sflag:s5] =	ssyncadd.s32 $0xFFFFE0C0  }
0x11a: {  	_ =	swait.ge [sflag:s5], $0x1F40  }
0x11b: {  	[sflag:s5] =	ssyncset.done $0x0  }
0x11c: {  	[sflag:s5] =	ssyncadd.s32 $0xFFFFE0C0  }
0x11d: {  	_ =	swait.ge [sflag:s5], $0x1F40  }
0x11e: {  	[sflag:s5] =	ssyncset.done $0x0  }
0x11f: {  	[sflag:s5] =	ssyncadd.s32 $0xFFFFE0C0  }
0x120: {  	_ =	swait.ge [sflag:s5], $0x1F40  }
0x121: {  	[sflag:s5] =	ssyncset.done $0x0  }
0x122: {  	s0 =	rddreg [dreg:$0x5];
	[sflag:s5] =	ssyncadd.s32 $0xFFFFE0C0  }
0x123: {  	[hbm4b:s0+s6] =	stream.strided.scatter [tilespmem:s14], [sflag:$0x2], $0x7D00, s4, s6, $0x38;
	[tilespmem:$0x10400] =	vst v63  }
0x124: {  	s23 =	simm.s32 $0x200  }
0x125: {  	[tilespmem:s17], [sflag:$0x1] =	stream.indirect.gather [hbm4b:s2+s7], $0x40, s23, s7, $0xb8;
	[tilespmem:$0x10400] =	vst v63  }
0x126: {  	_ = 	snop  }
0x127: {  	[tilespmem:s16], [sflag:$0x1] =	stream.indirect.gather [hbm4b:s2+s7], $0x40, s24, s7, $0xb8;
	[tilespmem:$0x10400] =	vst v63  }
0x128: {  	_ = 	snop  }
0x129: {  	[tilespmem:s19], [sflag:$0x1] =	stream.indirect.gather [hbm4b:s2+s7], $0x40, s30, s7, $0xb8;
	[tilespmem:$0x10400] =	vst v63  }
0x12a: {  	_ = 	snop  }
0x12b: {  	[tilespmem:s20], [sflag:$0x1] =	stream.indirect.gather [hbm4b:s2+s7], $0x40, s25, s7, $0xb8;
	[tilespmem:$0x10400] =	vst v63  }
0x12c: {  	_ =	swait.ge [sflag:s5], $0x1F40  }
0x12d: {  	[sflag:s5] =	ssyncset.done $0x0  }
0x12e: {  	[sflag:s5] =	ssyncadd.s32 $0xFFFFE0C0  }
0x12f: {  	_ =	swait.ge [sflag:s5], $0x1F40  }
0x130: {  	[sflag:s5] =	ssyncset.done $0x0  }
0x131: {  	[sflag:s5] =	ssyncadd.s32 $0xFFFFE0C0  }
0x132: {  	_ =	swait.ge [sflag:s5], $0x1F40  }
0x133: {  	[sflag:s5] =	ssyncset.done $0x0  }
0x134: {  	[sflag:s5] =	ssyncadd.s32 $0xFFFFE0C0  }
0x135: {  	_ =	swait.ge [sflag:s5], $0x1F40  }
0x136: {  	[sflag:s5] =	ssyncset.done $0x0  }
0x137: {  	s0 =	rddreg [dreg:$0x6];
	[sflag:s5] =	ssyncadd.s32 $0xFFFFE0C0  }
0x138: {  	[hbm4b:s0+s6] =	stream.strided.scatter [tilespmem:s17], [sflag:$0x3], $0x7D00, s4, s6, $0x38;
	[tilespmem:$0x10400] =	vst v63  }
0x139: {  	_ =	swait.ge [sflag:s8], $0x7D00  }
0x13a: {  	[sflag:s8] =	ssyncset.done $0x0  }
0x13b: {  	s16 =	simm.s32 $0x400;
	[sflag:s8] =	ssyncadd.s32 $0xFFFF8300  }
0x13c: {  	[tilespmem:s14], [sflag:$0x1] =	stream.indirect.gather [hbm4b:s2+s7], $0x40, s16, s7, $0xb8;
	[tilespmem:$0x10400] =	vst v63  }
0x13d: {  	s17 =	simm.s32 $0x480  }
0x13e: {  	[tilespmem:s9], [sflag:$0x1] =	stream.indirect.gather [hbm4b:s2+s7], $0x40, s17, s7, $0xb8;
	[tilespmem:$0x10400] =	vst v63  }
0x13f: {  	_ = 	snop  }
0x140: {  	[tilespmem:s10], [sflag:$0x1] =	stream.indirect.gather [hbm4b:s2+s7], $0x40, s26, s7, $0xb8;
	[tilespmem:$0x10400] =	vst v63  }
0x141: {  	_ = 	snop  }
0x142: {  	[tilespmem:s12], [sflag:$0x1] =	stream.indirect.gather [hbm4b:s2+s7], $0x40, s31, s7, $0xb8;
	[tilespmem:$0x10400] =	vst v63  }
0x143: {  	_ =	swait.ge [sflag:s5], $0x1F40  }
0x144: {  	[sflag:s5] =	ssyncset.done $0x0  }
0x145: {  	[sflag:s5] =	ssyncadd.s32 $0xFFFFE0C0  }
0x146: {  	_ =	swait.ge [sflag:s5], $0x1F40  }
0x147: {  	[sflag:s5] =	ssyncset.done $0x0  }
0x148: {  	[sflag:s5] =	ssyncadd.s32 $0xFFFFE0C0  }
0x149: {  	_ =	swait.ge [sflag:s5], $0x1F40  }
0x14a: {  	[sflag:s5] =	ssyncset.done $0x0  }
0x14b: {  	[sflag:s5] =	ssyncadd.s32 $0xFFFFE0C0  }
0x14c: {  	_ =	swait.ge [sflag:s5], $0x1F40  }
0x14d: {  	[sflag:s5] =	ssyncset.done $0x0  }
0x14e: {  	s12 =	rddreg [dreg:$0x7];
	[sflag:s5] =	ssyncadd.s32 $0xFFFFE0C0  }
0x14f: {  	[hbm4b:s12+s6] =	stream.strided.scatter [tilespmem:s14], [sflag:$0x2], $0x7D00, s4, s6, $0x38;
	[tilespmem:$0x10400] =	vst v63  }
0x150: {  	_ =	swait.ge [sflag:s11], $0x7D00  }
0x151: {  	[sflag:s11] =	ssyncset.done $0x0  }
0x152: {  	s23 =	simm.s32 $0x600;
	[sflag:s11] =	ssyncadd.s32 $0xFFFF8300  }
0x153: {  	[tilespmem:s13], [sflag:$0x1] =	stream.indirect.gather [hbm4b:s2+s7], $0x40, s23, s7, $0xb8;
	[tilespmem:$0x10400] =	vst v63  }
0x154: {  	s19 =	simm.s32 $0xA640  }
0x155: {  	[tilespmem:s19], [sflag:$0x1] =	stream.indirect.gather [hbm4b:s2+s7], $0x40, s28, s7, $0xb8;
	[tilespmem:$0x10400] =	vst v63  }
0x156: {  	s20 =	simm.s32 $0xC580  }
0x157: {  	[tilespmem:s20], [sflag:$0x1] =	stream.indirect.gather [hbm4b:s2+s7], $0x40, s18, s7, $0xb8;
	[tilespmem:$0x10400] =	vst v63  }
0x158: {  	s20 =	simm.s32 $0xE4C0  }
0x159: {  	[tilespmem:s20], [sflag:$0x1] =	stream.indirect.gather [hbm4b:s2+s7], $0x40, s21, s7, $0xb8;
	[tilespmem:$0x10400] =	vst v63  }
0x15a: {  	_ =	swait.ge [sflag:s5], $0x1F40  }
0x15b: {  	[sflag:s5] =	ssyncset.done $0x0  }
0x15c: {  	[sflag:s5] =	ssyncadd.s32 $0xFFFFE0C0  }
0x15d: {  	_ =	swait.ge [sflag:s5], $0x1F40  }
0x15e: {  	[sflag:s5] =	ssyncset.done $0x0  }
0x15f: {  	[sflag:s5] =	ssyncadd.s32 $0xFFFFE0C0  }
0x160: {  	_ =	swait.ge [sflag:s5], $0x1F40  }
0x161: {  	[sflag:s5] =	ssyncset.done $0x0  }
0x162: {  	[sflag:s5] =	ssyncadd.s32 $0xFFFFE0C0  }
0x163: {  	_ =	swait.ge [sflag:s5], $0x1F40  }
0x164: {  	[sflag:s5] =	ssyncset.done $0x0  }
0x165: {  	s0 =	rddreg [dreg:$0x8];
	[sflag:s5] =	ssyncadd.s32 $0xFFFFE0C0  }
0x166: {  	[hbm4b:s0+s6] =	stream.strided.scatter [tilespmem:s13], [sflag:$0x3], $0x7D00, s4, s6, $0x38;
	[tilespmem:$0x10400] =	vst v63  }
0x167: {  	_ =	swait.ge [sflag:s8], $0x7D00  }
0x168: {  	[sflag:s8] =	ssyncset.done $0x0  }
0x169: {  	s9 =	simm.s32 $0x800;
	[sflag:s8] =	ssyncadd.s32 $0xFFFF8300  }
0x16a: {  	[tilespmem:s14], [sflag:$0x1] =	stream.indirect.gather [hbm4b:s2+s7], $0x40, s9, s7, $0xb8;
	[tilespmem:$0x10400] =	vst v63  }
0x16b: {  	s10 =	simm.s32 $0x2940  }
0x16c: {  	[tilespmem:s10], [sflag:$0x1] =	stream.indirect.gather [hbm4b:s2+s7], $0x40, s15, s7, $0xb8;
	[tilespmem:$0x10400] =	vst v63  }
0x16d: {  	s12 =	simm.s32 $0x4880;
	s6 =	simm.s32 $0x900  }
0x16e: {  	[tilespmem:s12], [sflag:$0x1] =	stream.indirect.gather [hbm4b:s2+s7], $0x40, s6, s7, $0xb8;
	[tilespmem:$0x10400] =	vst v63  }
0x16f: {  	s23 =	simm.s32 $0x67C0;
	s6 =	simm.s32 $0x980  }
0x170: {  	[tilespmem:s23], [sflag:$0x1] =	stream.indirect.gather [hbm4b:s2+s7], $0x40, s6, s7, $0xb8;
	[tilespmem:$0x10400] =	vst v63  }
0x171: {  	_ =	swait.ge [sflag:s5], $0x1F40  }
0x172: {  	[sflag:s5] =	ssyncset.done $0x0  }
0x173: {  	[sflag:s5] =	ssyncadd.s32 $0xFFFFE0C0  }
0x174: {  	_ =	swait.ge [sflag:s5], $0x1F40  }
0x175: {  	[sflag:s5] =	ssyncset.done $0x0  }
0x176: {  	[sflag:s5] =	ssyncadd.s32 $0xFFFFE0C0  }
0x177: {  	_ =	swait.ge [sflag:s5], $0x1F40  }
0x178: {  	[sflag:s5] =	ssyncset.done $0x0  }
0x179: {  	[sflag:s5] =	ssyncadd.s32 $0xFFFFE0C0  }
0x17a: {  	_ =	swait.ge [sflag:s5], $0x1F40  }
0x17b: {  	[sflag:s5] =	ssyncset.done $0x0  }
0x17c: {  	s0 =	simm.s32 $0x40;
	s6 =	rddreg [dreg:$0x9];
	[sflag:s5] =	ssyncadd.s32 $0xFFFFE0C0  }
0x17d: {  	[hbm4b:s6+s0] =	stream.strided.scatter [tilespmem:s14], [sflag:$0x2], $0x7D00, s4, s0, $0x38;
	[tilespmem:$0x10400] =	vst v63  }
0x17e: {  	_ =	swait.ge [sflag:s8], $0x7D00  }
0x17f: {  	[sflag:s8] =	ssyncset.done $0x0  }
0x180: {  	[sflag:s8] =	ssyncadd.s32 $0xFFFF8300  }
0x181: {  	_ =	swait.ge [sflag:s11], $0x7D00  }
0x182: {  	[sflag:s11] =	ssyncset.done $0x0  }
0x183: {  	s6 =	rddreg [dreg:$0x4];
	[sflag:s11] =	ssyncadd.s32 $0xFFFF8300  }
0x184: {  	[tilespmem:s1], [sflag:$0x4] =	stream.linear.gather [hbm4b:s6+s1], $0xA00, $0x38;
	[tilespmem:$0x10400] =	vst v63  }
0x185: {  	_ =	swait.ge [sflag:s3], $0xA00  }
0x186: {  	[sflag:s3] =	ssyncset.done $0x0  }
0x187: {  	[sflag:s3] =	ssyncadd.s32 $0xFFFFF600  }
0x188: {  	[tilespmem:s14], [sflag:$0x1] =	stream.indirect.gather [hbm4b:s2+s7], $0x40, s1, s7, $0xb8;
	[tilespmem:$0x10400] =	vst v63  }
0x189: {  	_ = 	snop  }
0x18a: {  	[tilespmem:s10], [sflag:$0x1] =	stream.indirect.gather [hbm4b:s2+s7], $0x40, s4, s7, $0xb8;
	[tilespmem:$0x10400] =	vst v63  }
0x18b: {  	s23 =	simm.s32 $0x100  }
0x18c: {  	[tilespmem:s12], [sflag:$0x1] =	stream.indirect.gather [hbm4b:s2+s7], $0x40, s23, s7, $0xb8;
	[tilespmem:$0x10400] =	vst v63  }
0x18d: {  	s12 =	simm.s32 $0x67C0  }
0x18e: {  	[tilespmem:s12], [sflag:$0x1] =	stream.indirect.gather [hbm4b:s2+s7], $0x40, s29, s7, $0xb8;
	[tilespmem:$0x10400] =	vst v63  }
0x18f: {  	_ =	swait.ge [sflag:s5], $0x1F40  }
0x190: {  	[sflag:s5] =	ssyncset.done $0x0  }
0x191: {  	[sflag:s5] =	ssyncadd.s32 $0xFFFFE0C0  }
0x192: {  	_ =	swait.ge [sflag:s5], $0x1F40  }
0x193: {  	[sflag:s5] =	ssyncset.done $0x0  }
0x194: {  	[sflag:s5] =	ssyncadd.s32 $0xFFFFE0C0  }
0x195: {  	_ =	swait.ge [sflag:s5], $0x1F40  }
0x196: {  	[sflag:s5] =	ssyncset.done $0x0  }
0x197: {  	[sflag:s5] =	ssyncadd.s32 $0xFFFFE0C0  }
0x198: {  	_ =	swait.ge [sflag:s5], $0x1F40  }
0x199: {  	[sflag:s5] =	ssyncset.done $0x0  }
0x19a: {  	s6 =	rddreg [dreg:$0xa];
	[sflag:s5] =	ssyncadd.s32 $0xFFFFE0C0  }
0x19b: {  	[hbm4b:s6+s0] =	stream.strided.scatter [tilespmem:s14], [sflag:$0x2], $0x7D00, s4, s0, $0x38;
	[tilespmem:$0x10400] =	vst v63  }
0x19c: {  	s23 =	simm.s32 $0x200  }
0x19d: {  	[tilespmem:s13], [sflag:$0x1] =	stream.indirect.gather [hbm4b:s2+s7], $0x40, s23, s7, $0xb8;
	[tilespmem:$0x10400] =	vst v63  }
0x19e: {  	_ = 	snop  }
0x19f: {  	[tilespmem:s19], [sflag:$0x1] =	stream.indirect.gather [hbm4b:s2+s7], $0x40, s24, s7, $0xb8;
	[tilespmem:$0x10400] =	vst v63  }
0x1a0: {  	s19 =	simm.s32 $0xC580  }
0x1a1: {  	[tilespmem:s19], [sflag:$0x1] =	stream.indirect.gather [hbm4b:s2+s7], $0x40, s30, s7, $0xb8;
	[tilespmem:$0x10400] =	vst v63  }
0x1a2: {  	_ = 	snop  }
0x1a3: {  	[tilespmem:s20], [sflag:$0x1] =	stream.indirect.gather [hbm4b:s2+s7], $0x40, s25, s7, $0xb8;
	[tilespmem:$0x10400] =	vst v63  }
0x1a4: {  	_ =	swait.ge [sflag:s5], $0x1F40  }
0x1a5: {  	[sflag:s5] =	ssyncset.done $0x0  }
0x1a6: {  	[sflag:s5] =	ssyncadd.s32 $0xFFFFE0C0  }
0x1a7: {  	_ =	swait.ge [sflag:s5], $0x1F40  }
0x1a8: {  	[sflag:s5] =	ssyncset.done $0x0  }
0x1a9: {  	[sflag:s5] =	ssyncadd.s32 $0xFFFFE0C0  }
0x1aa: {  	_ =	swait.ge [sflag:s5], $0x1F40  }
0x1ab: {  	[sflag:s5] =	ssyncset.done $0x0  }
0x1ac: {  	[sflag:s5] =	ssyncadd.s32 $0xFFFFE0C0  }
0x1ad: {  	_ =	swait.ge [sflag:s5], $0x1F40  }
0x1ae: {  	[sflag:s5] =	ssyncset.done $0x0  }
0x1af: {  	s1 =	rddreg [dreg:$0xb];
	[sflag:s5] =	ssyncadd.s32 $0xFFFFE0C0  }
0x1b0: {  	[hbm4b:s1+s0] =	stream.strided.scatter [tilespmem:s13], [sflag:$0x3], $0x7D00, s4, s0, $0x38;
	[tilespmem:$0x10400] =	vst v63  }
0x1b1: {  	_ =	swait.ge [sflag:s8], $0x7D00  }
0x1b2: {  	[sflag:s8] =	ssyncset.done $0x0  }
0x1b3: {  	[sflag:s8] =	ssyncadd.s32 $0xFFFF8300  }
0x1b4: {  	[tilespmem:s14], [sflag:$0x1] =	stream.indirect.gather [hbm4b:s2+s7], $0x40, s16, s7, $0xb8;
	[tilespmem:$0x10400] =	vst v63  }
0x1b5: {  	_ = 	snop  }
0x1b6: {  	[tilespmem:s10], [sflag:$0x1] =	stream.indirect.gather [hbm4b:s2+s7], $0x40, s17, s7, $0xb8;
	[tilespmem:$0x10400] =	vst v63  }
0x1b7: {  	s10 =	simm.s32 $0x4880  }
0x1b8: {  	[tilespmem:s10], [sflag:$0x1] =	stream.indirect.gather [hbm4b:s2+s7], $0x40, s26, s7, $0xb8;
	[tilespmem:$0x10400] =	vst v63  }
0x1b9: {  	_ = 	snop  }
0x1ba: {  	[tilespmem:s12], [sflag:$0x1] =	stream.indirect.gather [hbm4b:s2+s7], $0x40, s31, s7, $0xb8;
	[tilespmem:$0x10400] =	vst v63  }
0x1bb: {  	_ =	swait.ge [sflag:s5], $0x1F40  }
0x1bc: {  	[sflag:s5] =	ssyncset.done $0x0  }
0x1bd: {  	[sflag:s5] =	ssyncadd.s32 $0xFFFFE0C0  }
0x1be: {  	_ =	swait.ge [sflag:s5], $0x1F40  }
0x1bf: {  	[sflag:s5] =	ssyncset.done $0x0  }
0x1c0: {  	[sflag:s5] =	ssyncadd.s32 $0xFFFFE0C0  }
0x1c1: {  	_ =	swait.ge [sflag:s5], $0x1F40  }
0x1c2: {  	[sflag:s5] =	ssyncset.done $0x0  }
0x1c3: {  	[sflag:s5] =	ssyncadd.s32 $0xFFFFE0C0  }
0x1c4: {  	_ =	swait.ge [sflag:s5], $0x1F40  }
0x1c5: {  	[sflag:s5] =	ssyncset.done $0x0  }
0x1c6: {  	s6 =	rddreg [dreg:$0xc];
	[sflag:s5] =	ssyncadd.s32 $0xFFFFE0C0  }
0x1c7: {  	[hbm4b:s6+s0] =	stream.strided.scatter [tilespmem:s14], [sflag:$0x2], $0x7D00, s4, s0, $0x38;
	[tilespmem:$0x10400] =	vst v63  }
0x1c8: {  	_ =	swait.ge [sflag:s11], $0x7D00  }
0x1c9: {  	[sflag:s11] =	ssyncset.done $0x0  }
0x1ca: {  	s23 =	simm.s32 $0x600;
	s17 =	simm.s32 $0x8700;
	[sflag:s11] =	ssyncadd.s32 $0xFFFF8300  }
0x1cb: {  	[tilespmem:s17], [sflag:$0x1] =	stream.indirect.gather [hbm4b:s2+s7], $0x40, s23, s7, $0xb8;
	[tilespmem:$0x10400] =	vst v63  }
0x1cc: {  	s16 =	simm.s32 $0xA640  }
0x1cd: {  	[tilespmem:s16], [sflag:$0x1] =	stream.indirect.gather [hbm4b:s2+s7], $0x40, s28, s7, $0xb8;
	[tilespmem:$0x10400] =	vst v63  }
0x1ce: {  	_ = 	snop  }
0x1cf: {  	[tilespmem:s19], [sflag:$0x1] =	stream.indirect.gather [hbm4b:s2+s7], $0x40, s18, s7, $0xb8;
	[tilespmem:$0x10400] =	vst v63  }
0x1d0: {  	_ = 	snop  }
0x1d1: {  	[tilespmem:s20], [sflag:$0x1] =	stream.indirect.gather [hbm4b:s2+s7], $0x40, s21, s7, $0xb8;
	[tilespmem:$0x10400] =	vst v63  }
0x1d2: {  	_ =	swait.ge [sflag:s5], $0x1F40  }
0x1d3: {  	[sflag:s5] =	ssyncset.done $0x0  }
0x1d4: {  	[sflag:s5] =	ssyncadd.s32 $0xFFFFE0C0  }
0x1d5: {  	_ =	swait.ge [sflag:s5], $0x1F40  }
0x1d6: {  	[sflag:s5] =	ssyncset.done $0x0  }
0x1d7: {  	[sflag:s5] =	ssyncadd.s32 $0xFFFFE0C0  }
0x1d8: {  	_ =	swait.ge [sflag:s5], $0x1F40  }
0x1d9: {  	[sflag:s5] =	ssyncset.done $0x0  }
0x1da: {  	[sflag:s5] =	ssyncadd.s32 $0xFFFFE0C0  }
0x1db: {  	_ =	swait.ge [sflag:s5], $0x1F40  }
0x1dc: {  	[sflag:s5] =	ssyncset.done $0x0  }
0x1dd: {  	s1 =	rddreg [dreg:$0xd];
	[sflag:s5] =	ssyncadd.s32 $0xFFFFE0C0  }
0x1de: {  	[hbm4b:s1+s0] =	stream.strided.scatter [tilespmem:s17], [sflag:$0x3], $0x7D00, s4, s0, $0x38;
	[tilespmem:$0x10400] =	vst v63  }
0x1df: {  	_ =	swait.ge [sflag:s8], $0x7D00  }
0x1e0: {  	[sflag:s8] =	ssyncset.done $0x0  }
0x1e1: {  	[sflag:s8] =	ssyncadd.s32 $0xFFFF8300  }
0x1e2: {  	[tilespmem:s14], [sflag:$0x1] =	stream.indirect.gather [hbm4b:s2+s7], $0x40, s9, s7, $0xb8;
	[tilespmem:$0x10400] =	vst v63  }
0x1e3: {  	s9 =	simm.s32 $0x2940  }
0x1e4: {  	[tilespmem:s9], [sflag:$0x1] =	stream.indirect.gather [hbm4b:s2+s7], $0x40, s15, s7, $0xb8;
	[tilespmem:$0x10400] =	vst v63  }
0x1e5: {  	s6 =	simm.s32 $0x900  }
0x1e6: {  	[tilespmem:s10], [sflag:$0x1] =	stream.indirect.gather [hbm4b:s2+s7], $0x40, s6, s7, $0xb8;
	[tilespmem:$0x10400] =	vst v63  }
0x1e7: {  	s23 =	simm.s32 $0x980  }
0x1e8: {  	[tilespmem:s12], [sflag:$0x1] =	stream.indirect.gather [hbm4b:s2+s7], $0x40, s23, s7, $0xb8;
	[tilespmem:$0x10400] =	vst v63  }
0x1e9: {  	_ =	swait.ge [sflag:s5], $0x1F40  }
0x1ea: {  	[sflag:s5] =	ssyncset.done $0x0  }
0x1eb: {  	[sflag:s5] =	ssyncadd.s32 $0xFFFFE0C0  }
0x1ec: {  	_ =	swait.ge [sflag:s5], $0x1F40  }
0x1ed: {  	[sflag:s5] =	ssyncset.done $0x0  }
0x1ee: {  	[sflag:s5] =	ssyncadd.s32 $0xFFFFE0C0  }
0x1ef: {  	_ =	swait.ge [sflag:s5], $0x1F40  }
0x1f0: {  	[sflag:s5] =	ssyncset.done $0x0  }
0x1f1: {  	[sflag:s5] =	ssyncadd.s32 $0xFFFFE0C0  }
0x1f2: {  	_ =	swait.ge [sflag:s5], $0x1F40  }
0x1f3: {  	p1 =	sne.s32 s22, $0x1;
	[sflag:s5] =	ssyncset.done $0x0  }
0x1f4: {  	s6 =	simm.s32 $0x40;
	s1 =	rddreg [dreg:$0xe];
	[sflag:s5] =	ssyncadd.s32 $0xFFFFE0C0  }
0x1f5: {  	[hbm4b:s1+s6] =	stream.strided.scatter [tilespmem:s14], [sflag:$0x2], $0x7D00, s4, s6, $0x38;
	[tilespmem:$0x10400] =	vst v63  }
.Ltmp2:
0x1f6: {  	_ =	swait.ge [sflag:s8], $0x7D00;
	(pc) =	sbr.rel @p1 .LBB2_3-.Ltmp2, $4  }
0x1f7: {  	[sflag:s8] =	ssyncset.done $0x0  }
0x1f8: {  	[sflag:s8] =	ssyncadd.s32 $0xFFFF8300  }
0x1f9: {  	_ =	swait.ge [sflag:s11], $0x7D00  }
0x1fa: {  	s22 =	sadd.s32 $0xFFFFFFFF, s22;
	s23 =	rddreg [dreg:$0x3];
	[sflag:s11] =	ssyncset.done $0x0  }
0x1fb: {  	s21 =	simm.s32 $0x0;
	s13 =	simm.s32 $0x4  }
.LBB2_5:
0x1fc: {  	[sflag:s11] =	ssyncadd.s32 @p0 $0xFFFF8300  }
0x1fd: {  	[tilespmem:s21], [sflag:$0x4] =	stream.linear.gather [hbm4b:s23+s21], $0xA00, $0x38;
	[tilespmem:$0x10400] =	vst v63  }
0x1fe: {  	_ =	swait.ge [sflag:s13], $0xA00  }
0x1ff: {  	[sflag:s13] =	ssyncset.done $0x0  }
0x200: {  	[sflag:s13] =	ssyncadd.s32 $0xFFFFF600  }
0x201: {  	[tilespmem:s14], [sflag:$0x1] =	stream.indirect.gather [hbm4b:s2+s7], $0x40, s21, s7, $0xb8;
	[tilespmem:$0x10400] =	vst v63  }
0x202: {  	_ = 	snop  }
0x203: {  	[tilespmem:s9], [sflag:$0x1] =	stream.indirect.gather [hbm4b:s2+s7], $0x40, s4, s7, $0xb8;
	[tilespmem:$0x10400] =	vst v63  }
0x204: {  	s0 =	simm.s32 $0x100  }
0x205: {  	[tilespmem:s10], [sflag:$0x1] =	stream.indirect.gather [hbm4b:s2+s7], $0x40, s0, s7, $0xb8;
	[tilespmem:$0x10400] =	vst v63  }
0x206: {  	s15 =	simm.s32 $0x180  }
0x207: {  	[tilespmem:s12], [sflag:$0x1] =	stream.indirect.gather [hbm4b:s2+s7], $0x40, s15, s7, $0xb8;
	[tilespmem:$0x10400] =	vst v63  }
0x208: {  	_ =	swait.ge [sflag:s5], $0x1F40  }
0x209: {  	[sflag:s5] =	ssyncset.done $0x0  }
0x20a: {  	[sflag:s5] =	ssyncadd.s32 $0xFFFFE0C0  }
0x20b: {  	_ =	swait.ge [sflag:s5], $0x1F40  }
0x20c: {  	[sflag:s5] =	ssyncset.done $0x0  }
0x20d: {  	[sflag:s5] =	ssyncadd.s32 $0xFFFFE0C0  }
0x20e: {  	_ =	swait.ge [sflag:s5], $0x1F40  }
0x20f: {  	[sflag:s5] =	ssyncset.done $0x0  }
0x210: {  	[sflag:s5] =	ssyncadd.s32 $0xFFFFE0C0  }
0x211: {  	_ =	swait.ge [sflag:s5], $0x1F40  }
0x212: {  	[sflag:s5] =	ssyncset.done $0x0  }
0x213: {  	s22 =	rddreg [dreg:$0x5];
	[sflag:s5] =	ssyncadd.s32 $0xFFFFE0C0  }
0x214: {  	[hbm4b:s22+s6] =	stream.strided.scatter [tilespmem:s14], [sflag:$0x2], $0x7D00, s4, s6, $0x38;
	[tilespmem:$0x10400] =	vst v63  }
0x215: {  	s1 =	simm.s32 $0x200  }
0x216: {  	[tilespmem:s17], [sflag:$0x1] =	stream.indirect.gather [hbm4b:s2+s7], $0x40, s1, s7, $0xb8;
	[tilespmem:$0x10400] =	vst v63  }
0x217: {  	s3 =	simm.s32 $0x280  }
0x218: {  	[tilespmem:s16], [sflag:$0x1] =	stream.indirect.gather [hbm4b:s2+s7], $0x40, s3, s7, $0xb8;
	[tilespmem:$0x10400] =	vst v63  }
0x219: {  	s18 =	simm.s32 $0x300  }
0x21a: {  	[tilespmem:s19], [sflag:$0x1] =	stream.indirect.gather [hbm4b:s2+s7], $0x40, s18, s7, $0xb8;
	[tilespmem:$0x10400] =	vst v63  }
0x21b: {  	s22 =	simm.s32 $0x380  }
0x21c: {  	[tilespmem:s20], [sflag:$0x1] =	stream.indirect.gather [hbm4b:s2+s7], $0x40, s22, s7, $0xb8;
	[tilespmem:$0x10400] =	vst v63  }
0x21d: {  	_ =	swait.ge [sflag:s5], $0x1F40  }
0x21e: {  	[sflag:s5] =	ssyncset.done $0x0  }
0x21f: {  	[sflag:s5] =	ssyncadd.s32 $0xFFFFE0C0  }
0x220: {  	_ =	swait.ge [sflag:s5], $0x1F40  }
0x221: {  	[sflag:s5] =	ssyncset.done $0x0  }
0x222: {  	[sflag:s5] =	ssyncadd.s32 $0xFFFFE0C0  }
0x223: {  	_ =	swait.ge [sflag:s5], $0x1F40  }
0x224: {  	[sflag:s5] =	ssyncset.done $0x0  }
0x225: {  	[sflag:s5] =	ssyncadd.s32 $0xFFFFE0C0  }
0x226: {  	_ =	swait.ge [sflag:s5], $0x1F40  }
0x227: {  	[sflag:s5] =	ssyncset.done $0x0  }
0x228: {  	s23 =	rddreg [dreg:$0x6];
	[sflag:s5] =	ssyncadd.s32 $0xFFFFE0C0  }
0x229: {  	[hbm4b:s23+s6] =	stream.strided.scatter [tilespmem:s17], [sflag:$0x3], $0x7D00, s4, s6, $0x38;
	[tilespmem:$0x10400] =	vst v63  }
0x22a: {  	_ =	swait.ge [sflag:s8], $0x7D00  }
0x22b: {  	[sflag:s8] =	ssyncset.done $0x0  }
0x22c: {  	s31 =	simm.s32 $0x400;
	[sflag:s8] =	ssyncadd.s32 $0xFFFF8300  }
0x22d: {  	[tilespmem:s14], [sflag:$0x1] =	stream.indirect.gather [hbm4b:s2+s7], $0x40, s31, s7, $0xb8;
	[tilespmem:$0x10400] =	vst v63  }
0x22e: {  	s3 =	simm.s32 $0x480  }
0x22f: {  	[tilespmem:s9], [sflag:$0x1] =	stream.indirect.gather [hbm4b:s2+s7], $0x40, s3, s7, $0xb8;
	[tilespmem:$0x10400] =	vst v63  }
0x230: {  	s16 =	simm.s32 $0x500  }
0x231: {  	[tilespmem:s10], [sflag:$0x1] =	stream.indirect.gather [hbm4b:s2+s7], $0x40, s16, s7, $0xb8;
	[tilespmem:$0x10400] =	vst v63  }
0x232: {  	s17 =	simm.s32 $0x580  }
0x233: {  	[tilespmem:s12], [sflag:$0x1] =	stream.indirect.gather [hbm4b:s2+s7], $0x40, s17, s7, $0xb8;
	[tilespmem:$0x10400] =	vst v63  }
0x234: {  	_ =	swait.ge [sflag:s5], $0x1F40  }
0x235: {  	[sflag:s5] =	ssyncset.done $0x0  }
0x236: {  	[sflag:s5] =	ssyncadd.s32 $0xFFFFE0C0  }
0x237: {  	_ =	swait.ge [sflag:s5], $0x1F40  }
0x238: {  	[sflag:s5] =	ssyncset.done $0x0  }
0x239: {  	[sflag:s5] =	ssyncadd.s32 $0xFFFFE0C0  }
0x23a: {  	_ =	swait.ge [sflag:s5], $0x1F40  }
0x23b: {  	[sflag:s5] =	ssyncset.done $0x0  }
0x23c: {  	[sflag:s5] =	ssyncadd.s32 $0xFFFFE0C0  }
0x23d: {  	_ =	swait.ge [sflag:s5], $0x1F40  }
0x23e: {  	[sflag:s5] =	ssyncset.done $0x0  }
0x23f: {  	s24 =	rddreg [dreg:$0x7];
	[sflag:s5] =	ssyncadd.s32 $0xFFFFE0C0  }
0x240: {  	[hbm4b:s24+s6] =	stream.strided.scatter [tilespmem:s14], [sflag:$0x2], $0x7D00, s4, s6, $0x38;
	[tilespmem:$0x10400] =	vst v63  }
0x241: {  	_ =	swait.ge [sflag:s11], $0x7D00  }
0x242: {  	[sflag:s11] =	ssyncset.done $0x0  }
0x243: {  	s28 =	simm.s32 $0x600;
	s1 =	simm.s32 $0x8700;
	[sflag:s11] =	ssyncadd.s32 $0xFFFF8300  }
0x244: {  	[tilespmem:s1], [sflag:$0x1] =	stream.indirect.gather [hbm4b:s2+s7], $0x40, s28, s7, $0xb8;
	[tilespmem:$0x10400] =	vst v63  }
0x245: {  	s29 =	simm.s32 $0x680;
	s18 =	simm.s32 $0xA640  }
0x246: {  	[tilespmem:s18], [sflag:$0x1] =	stream.indirect.gather [hbm4b:s2+s7], $0x40, s29, s7, $0xb8;
	[tilespmem:$0x10400] =	vst v63  }
0x247: {  	s30 =	simm.s32 $0x700  }
0x248: {  	[tilespmem:s19], [sflag:$0x1] =	stream.indirect.gather [hbm4b:s2+s7], $0x40, s30, s7, $0xb8;
	[tilespmem:$0x10400] =	vst v63  }
0x249: {  	s25 =	simm.s32 $0x780  }
0x24a: {  	[tilespmem:s20], [sflag:$0x1] =	stream.indirect.gather [hbm4b:s2+s7], $0x40, s25, s7, $0xb8;
	[tilespmem:$0x10400] =	vst v63  }
0x24b: {  	_ =	swait.ge [sflag:s5], $0x1F40  }
0x24c: {  	[sflag:s5] =	ssyncset.done $0x0  }
0x24d: {  	[sflag:s5] =	ssyncadd.s32 $0xFFFFE0C0  }
0x24e: {  	_ =	swait.ge [sflag:s5], $0x1F40  }
0x24f: {  	[sflag:s5] =	ssyncset.done $0x0  }
0x250: {  	[sflag:s5] =	ssyncadd.s32 $0xFFFFE0C0  }
0x251: {  	_ =	swait.ge [sflag:s5], $0x1F40  }
0x252: {  	[sflag:s5] =	ssyncset.done $0x0  }
0x253: {  	[sflag:s5] =	ssyncadd.s32 $0xFFFFE0C0  }
0x254: {  	_ =	swait.ge [sflag:s5], $0x1F40  }
0x255: {  	[sflag:s5] =	ssyncset.done $0x0  }
0x256: {  	s26 =	rddreg [dreg:$0x8];
	[sflag:s5] =	ssyncadd.s32 $0xFFFFE0C0  }
0x257: {  	[hbm4b:s26+s6] =	stream.strided.scatter [tilespmem:s1], [sflag:$0x3], $0x7D00, s4, s6, $0x38;
	[tilespmem:$0x10400] =	vst v63  }
0x258: {  	_ =	swait.ge [sflag:s8], $0x7D00  }
0x259: {  	[sflag:s8] =	ssyncset.done $0x0  }
0x25a: {  	s23 =	simm.s32 $0x800;
	[sflag:s8] =	ssyncadd.s32 $0xFFFF8300  }
0x25b: {  	[tilespmem:s14], [sflag:$0x1] =	stream.indirect.gather [hbm4b:s2+s7], $0x40, s23, s7, $0xb8;
	[tilespmem:$0x10400] =	vst v63  }
0x25c: {  	s24 =	simm.s32 $0x880  }
0x25d: {  	[tilespmem:s9], [sflag:$0x1] =	stream.indirect.gather [hbm4b:s2+s7], $0x40, s24, s7, $0xb8;
	[tilespmem:$0x10400] =	vst v63  }
0x25e: {  	s25 =	simm.s32 $0x900  }
0x25f: {  	[tilespmem:s10], [sflag:$0x1] =	stream.indirect.gather [hbm4b:s2+s7], $0x40, s25, s7, $0xb8;
	[tilespmem:$0x10400] =	vst v63  }
0x260: {  	s26 =	simm.s32 $0x980  }
0x261: {  	[tilespmem:s12], [sflag:$0x1] =	stream.indirect.gather [hbm4b:s2+s7], $0x40, s26, s7, $0xb8;
	[tilespmem:$0x10400] =	vst v63  }
0x262: {  	_ =	swait.ge [sflag:s5], $0x1F40  }
0x263: {  	[sflag:s5] =	ssyncset.done $0x0  }
0x264: {  	[sflag:s5] =	ssyncadd.s32 $0xFFFFE0C0  }
0x265: {  	_ =	swait.ge [sflag:s5], $0x1F40  }
0x266: {  	[sflag:s5] =	ssyncset.done $0x0  }
0x267: {  	[sflag:s5] =	ssyncadd.s32 $0xFFFFE0C0  }
0x268: {  	_ =	swait.ge [sflag:s5], $0x1F40  }
0x269: {  	[sflag:s5] =	ssyncset.done $0x0  }
0x26a: {  	[sflag:s5] =	ssyncadd.s32 $0xFFFFE0C0  }
0x26b: {  	_ =	swait.ge [sflag:s5], $0x1F40  }
0x26c: {  	[sflag:s5] =	ssyncset.done $0x0  }
0x26d: {  	s22 =	rddreg [dreg:$0x9];
	[sflag:s5] =	ssyncadd.s32 $0xFFFFE0C0  }
0x26e: {  	[hbm4b:s22+s6] =	stream.strided.scatter [tilespmem:s14], [sflag:$0x2], $0x7D00, s4, s6, $0x38;
	[tilespmem:$0x10400] =	vst v63  }
0x26f: {  	_ =	swait.ge [sflag:s8], $0x7D00  }
0x270: {  	[sflag:s8] =	ssyncset.done $0x0  }
0x271: {  	[sflag:s8] =	ssyncadd.s32 $0xFFFF8300  }
0x272: {  	_ =	swait.ge [sflag:s11], $0x7D00  }
0x273: {  	[sflag:s11] =	ssyncset.done $0x0  }
0x274: {  	s22 =	rddreg [dreg:$0x4];
	[sflag:s11] =	ssyncadd.s32 $0xFFFF8300  }
0x275: {  	[tilespmem:s21], [sflag:$0x4] =	stream.linear.gather [hbm4b:s22+s21], $0xA00, $0x38;
	[tilespmem:$0x10400] =	vst v63  }
0x276: {  	_ =	swait.ge [sflag:s13], $0xA00  }
0x277: {  	[sflag:s13] =	ssyncset.done $0x0  }
0x278: {  	[sflag:s13] =	ssyncadd.s32 $0xFFFFF600  }
0x279: {  	[tilespmem:s14], [sflag:$0x1] =	stream.indirect.gather [hbm4b:s2+s7], $0x40, s21, s7, $0xb8;
	[tilespmem:$0x10400] =	vst v63  }
0x27a: {  	_ = 	snop  }
0x27b: {  	[tilespmem:s9], [sflag:$0x1] =	stream.indirect.gather [hbm4b:s2+s7], $0x40, s4, s7, $0xb8;
	[tilespmem:$0x10400] =	vst v63  }
0x27c: {  	_ = 	snop  }
0x27d: {  	[tilespmem:s10], [sflag:$0x1] =	stream.indirect.gather [hbm4b:s2+s7], $0x40, s0, s7, $0xb8;
	[tilespmem:$0x10400] =	vst v63  }
0x27e: {  	_ = 	snop  }
0x27f: {  	[tilespmem:s12], [sflag:$0x1] =	stream.indirect.gather [hbm4b:s2+s7], $0x40, s15, s7, $0xb8;
	[tilespmem:$0x10400] =	vst v63  }
0x280: {  	_ =	swait.ge [sflag:s5], $0x1F40  }
0x281: {  	[sflag:s5] =	ssyncset.done $0x0  }
0x282: {  	[sflag:s5] =	ssyncadd.s32 $0xFFFFE0C0  }
0x283: {  	_ =	swait.ge [sflag:s5], $0x1F40  }
0x284: {  	[sflag:s5] =	ssyncset.done $0x0  }
0x285: {  	[sflag:s5] =	ssyncadd.s32 $0xFFFFE0C0  }
0x286: {  	_ =	swait.ge [sflag:s5], $0x1F40  }
0x287: {  	[sflag:s5] =	ssyncset.done $0x0  }
0x288: {  	[sflag:s5] =	ssyncadd.s32 $0xFFFFE0C0  }
0x289: {  	_ =	swait.ge [sflag:s5], $0x1F40  }
0x28a: {  	[sflag:s5] =	ssyncset.done $0x0  }
0x28b: {  	s13 =	rddreg [dreg:$0xa];
	[sflag:s5] =	ssyncadd.s32 $0xFFFFE0C0  }
0x28c: {  	[hbm4b:s13+s6] =	stream.strided.scatter [tilespmem:s14], [sflag:$0x2], $0x7D00, s4, s6, $0x38;
	[tilespmem:$0x10400] =	vst v63  }
0x28d: {  	s21 =	simm.s32 $0x200  }
0x28e: {  	[tilespmem:s1], [sflag:$0x1] =	stream.indirect.gather [hbm4b:s2+s7], $0x40, s21, s7, $0xb8;
	[tilespmem:$0x10400] =	vst v63  }
0x28f: {  	s22 =	simm.s32 $0x280  }
0x290: {  	[tilespmem:s18], [sflag:$0x1] =	stream.indirect.gather [hbm4b:s2+s7], $0x40, s22, s7, $0xb8;
	[tilespmem:$0x10400] =	vst v63  }
0x291: {  	s13 =	simm.s32 $0x300  }
0x292: {  	[tilespmem:s19], [sflag:$0x1] =	stream.indirect.gather [hbm4b:s2+s7], $0x40, s13, s7, $0xb8;
	[tilespmem:$0x10400] =	vst v63  }
0x293: {  	s15 =	simm.s32 $0x380  }
0x294: {  	[tilespmem:s20], [sflag:$0x1] =	stream.indirect.gather [hbm4b:s2+s7], $0x40, s15, s7, $0xb8;
	[tilespmem:$0x10400] =	vst v63  }
0x295: {  	_ =	swait.ge [sflag:s5], $0x1F40  }
0x296: {  	[sflag:s5] =	ssyncset.done $0x0  }
0x297: {  	[sflag:s5] =	ssyncadd.s32 $0xFFFFE0C0  }
0x298: {  	_ =	swait.ge [sflag:s5], $0x1F40  }
0x299: {  	[sflag:s5] =	ssyncset.done $0x0  }
0x29a: {  	[sflag:s5] =	ssyncadd.s32 $0xFFFFE0C0  }
0x29b: {  	_ =	swait.ge [sflag:s5], $0x1F40  }
0x29c: {  	[sflag:s5] =	ssyncset.done $0x0  }
0x29d: {  	[sflag:s5] =	ssyncadd.s32 $0xFFFFE0C0  }
0x29e: {  	_ =	swait.ge [sflag:s5], $0x1F40  }
0x29f: {  	[sflag:s5] =	ssyncset.done $0x0  }
0x2a0: {  	s21 =	rddreg [dreg:$0xb];
	[sflag:s5] =	ssyncadd.s32 $0xFFFFE0C0  }
0x2a1: {  	[hbm4b:s21+s6] =	stream.strided.scatter [tilespmem:s1], [sflag:$0x3], $0x7D00, s4, s6, $0x38;
	[tilespmem:$0x10400] =	vst v63  }
0x2a2: {  	_ =	swait.ge [sflag:s8], $0x7D00  }
0x2a3: {  	[sflag:s8] =	ssyncset.done $0x0  }
0x2a4: {  	[sflag:s8] =	ssyncadd.s32 $0xFFFF8300  }
0x2a5: {  	[tilespmem:s14], [sflag:$0x1] =	stream.indirect.gather [hbm4b:s2+s7], $0x40, s31, s7, $0xb8;
	[tilespmem:$0x10400] =	vst v63  }
0x2a6: {  	_ = 	snop  }
0x2a7: {  	[tilespmem:s9], [sflag:$0x1] =	stream.indirect.gather [hbm4b:s2+s7], $0x40, s3, s7, $0xb8;
	[tilespmem:$0x10400] =	vst v63  }
0x2a8: {  	_ = 	snop  }
0x2a9: {  	[tilespmem:s10], [sflag:$0x1] =	stream.indirect.gather [hbm4b:s2+s7], $0x40, s16, s7, $0xb8;
	[tilespmem:$0x10400] =	vst v63  }
0x2aa: {  	_ = 	snop  }
0x2ab: {  	[tilespmem:s12], [sflag:$0x1] =	stream.indirect.gather [hbm4b:s2+s7], $0x40, s17, s7, $0xb8;
	[tilespmem:$0x10400] =	vst v63  }
0x2ac: {  	_ =	swait.ge [sflag:s5], $0x1F40  }
0x2ad: {  	[sflag:s5] =	ssyncset.done $0x0  }
0x2ae: {  	[sflag:s5] =	ssyncadd.s32 $0xFFFFE0C0  }
0x2af: {  	_ =	swait.ge [sflag:s5], $0x1F40  }
0x2b0: {  	[sflag:s5] =	ssyncset.done $0x0  }
0x2b1: {  	[sflag:s5] =	ssyncadd.s32 $0xFFFFE0C0  }
0x2b2: {  	_ =	swait.ge [sflag:s5], $0x1F40  }
0x2b3: {  	[sflag:s5] =	ssyncset.done $0x0  }
0x2b4: {  	[sflag:s5] =	ssyncadd.s32 $0xFFFFE0C0  }
0x2b5: {  	_ =	swait.ge [sflag:s5], $0x1F40  }
0x2b6: {  	[sflag:s5] =	ssyncset.done $0x0  }
0x2b7: {  	s22 =	rddreg [dreg:$0xc];
	[sflag:s5] =	ssyncadd.s32 $0xFFFFE0C0  }
0x2b8: {  	[hbm4b:s22+s6] =	stream.strided.scatter [tilespmem:s14], [sflag:$0x2], $0x7D00, s4, s6, $0x38;
	[tilespmem:$0x10400] =	vst v63  }
0x2b9: {  	_ =	swait.ge [sflag:s11], $0x7D00  }
0x2ba: {  	[sflag:s11] =	ssyncset.done $0x0  }
0x2bb: {  	[sflag:s11] =	ssyncadd.s32 $0xFFFF8300  }
0x2bc: {  	[tilespmem:s1], [sflag:$0x1] =	stream.indirect.gather [hbm4b:s2+s7], $0x40, s28, s7, $0xb8;
	[tilespmem:$0x10400] =	vst v63  }
0x2bd: {  	_ = 	snop  }
0x2be: {  	[tilespmem:s18], [sflag:$0x1] =	stream.indirect.gather [hbm4b:s2+s7], $0x40, s29, s7, $0xb8;
	[tilespmem:$0x10400] =	vst v63  }
0x2bf: {  	_ = 	snop  }
0x2c0: {  	[tilespmem:s19], [sflag:$0x1] =	stream.indirect.gather [hbm4b:s2+s7], $0x40, s30, s7, $0xb8;
	[tilespmem:$0x10400] =	vst v63  }
0x2c1: {  	s28 =	simm.s32 $0x780  }
0x2c2: {  	[tilespmem:s20], [sflag:$0x1] =	stream.indirect.gather [hbm4b:s2+s7], $0x40, s28, s7, $0xb8;
	[tilespmem:$0x10400] =	vst v63  }
0x2c3: {  	_ =	swait.ge [sflag:s5], $0x1F40  }
0x2c4: {  	[sflag:s5] =	ssyncset.done $0x0  }
0x2c5: {  	[sflag:s5] =	ssyncadd.s32 $0xFFFFE0C0  }
0x2c6: {  	_ =	swait.ge [sflag:s5], $0x1F40  }
0x2c7: {  	[sflag:s5] =	ssyncset.done $0x0  }
0x2c8: {  	[sflag:s5] =	ssyncadd.s32 $0xFFFFE0C0  }
0x2c9: {  	_ =	swait.ge [sflag:s5], $0x1F40  }
0x2ca: {  	[sflag:s5] =	ssyncset.done $0x0  }
0x2cb: {  	[sflag:s5] =	ssyncadd.s32 $0xFFFFE0C0  }
0x2cc: {  	_ =	swait.ge [sflag:s5], $0x1F40  }
0x2cd: {  	[sflag:s5] =	ssyncset.done $0x0  }
0x2ce: {  	s29 =	rddreg [dreg:$0xd];
	[sflag:s5] =	ssyncadd.s32 $0xFFFFE0C0  }
0x2cf: {  	[hbm4b:s29+s6] =	stream.strided.scatter [tilespmem:s1], [sflag:$0x3], $0x7D00, s4, s6, $0x38;
	[tilespmem:$0x10400] =	vst v63  }
0x2d0: {  	_ =	swait.ge [sflag:s8], $0x7D00  }
0x2d1: {  	[sflag:s8] =	ssyncset.done $0x0  }
0x2d2: {  	[sflag:s8] =	ssyncadd.s32 $0xFFFF8300  }
0x2d3: {  	[tilespmem:s14], [sflag:$0x1] =	stream.indirect.gather [hbm4b:s2+s7], $0x40, s23, s7, $0xb8;
	[tilespmem:$0x10400] =	vst v63  }
0x2d4: {  	_ = 	snop  }
0x2d5: {  	[tilespmem:s9], [sflag:$0x1] =	stream.indirect.gather [hbm4b:s2+s7], $0x40, s24, s7, $0xb8;
	[tilespmem:$0x10400] =	vst v63  }
0x2d6: {  	_ = 	snop  }
0x2d7: {  	[tilespmem:s10], [sflag:$0x1] =	stream.indirect.gather [hbm4b:s2+s7], $0x40, s25, s7, $0xb8;
	[tilespmem:$0x10400] =	vst v63  }
0x2d8: {  	_ = 	snop  }
0x2d9: {  	[tilespmem:s12], [sflag:$0x1] =	stream.indirect.gather [hbm4b:s2+s7], $0x40, s26, s7, $0xb8;
	[tilespmem:$0x10400] =	vst v63  }
0x2da: {  	_ =	swait.ge [sflag:s5], $0x1F40  }
0x2db: {  	[sflag:s5] =	ssyncset.done $0x0  }
0x2dc: {  	[sflag:s5] =	ssyncadd.s32 $0xFFFFE0C0  }
0x2dd: {  	_ =	swait.ge [sflag:s5], $0x1F40  }
0x2de: {  	[sflag:s5] =	ssyncset.done $0x0  }
0x2df: {  	[sflag:s5] =	ssyncadd.s32 $0xFFFFE0C0  }
0x2e0: {  	_ =	swait.ge [sflag:s5], $0x1F40  }
0x2e1: {  	[sflag:s5] =	ssyncset.done $0x0  }
0x2e2: {  	[sflag:s5] =	ssyncadd.s32 $0xFFFFE0C0  }
0x2e3: {  	_ =	swait.ge [sflag:s5], $0x1F40  }
0x2e4: {  	[sflag:s5] =	ssyncset.done $0x0  }
0x2e5: {  	s30 =	rddreg [dreg:$0xe];
	[sflag:s5] =	ssyncadd.s32 $0xFFFFE0C0  }
0x2e6: {  	[hbm4b:s30+s6] =	stream.strided.scatter [tilespmem:s14], [sflag:$0x2], $0x7D00, s4, s6, $0x38;
	[tilespmem:$0x10400] =	vst v63  }
0x2e7: {  	_ =	swait.ge [sflag:s8], $0x7D00  }
0x2e8: {  	[sflag:s8] =	ssyncset.done $0x0  }
0x2e9: {  	[sflag:s8] =	ssyncadd.s32 $0xFFFF8300  }
0x2ea: {  	_ =	swait.ge [sflag:s11], $0x7D00  }
0x2eb: {  	[sflag:s11] =	ssyncset.done $0x0  }
0x2ec: {  	[sflag:s11] =	ssyncadd.s32 $0xFFFF8300  }
0x2ed: {  	_ =	sfence.sel $0x180000  }
0x2ee: {  	[bflag:$0x0] =	sbarrier.arrive $0xFFFF  }
0x2ef: {  	_ =	strace $0x90000047  }
0x2f0: {  	s31 =	stileid.u32;
	[bflag:$0x2] =	sbarrier.arrive $0xFFFF  }
0x2f1: {  	p0 =	sne.s32 s31, $0x0;
	s0 =	rddreg [dreg:$0x2]  }
0x2f2: {  	s0 =	sadd.s32 @!p0 $0x100000, s0  }
0x2f3: {  	[sflag:s0] =	ssyncadd.tile.s32 @!p0 $0x1;
	_ =	shalt  }
.LBB2_6:
.Ltmp3:
0x2f4: {  	(pc) =	sbr.rel .LBB2_5-.Ltmp3, $2  }
0x2f5: {  	_ =	sdelay $0x2  }
0x2f6: {  	s21 =	simm.s32 $0x0;
	s13 =	simm.s32 $0x4  }
.Lfunc_end2:
_tile_overlayer_lowered:
.L_overlay_start_2:
0x2f7: {  	(tag) =	ssettag $0x2  }
0x2f8: {  	s0 =	rddreg [dreg:$0x0];
	s2 =	stileid.u32  }
0x2f9: {  	s1 =	rddreg [dreg:$0x1];
	p0 =	sne.s32 s2, $0x0  }
0x2fa: {  	s3 =	rddreg [dreg:$0x2];
	[bflag:$0x3] =	sbarrier.arrive $0xFFFF;
	s2 =	simm.s32 @!p0 $0x1C04  }
0x2fb: {  	[timem:s3], [sflag:s2] =	dma.local @!p0 [hbm:s0], s1  }
0x2fc: {  	s0 =	simm.s32 @!p0 $0x4  }
0x2fd: {  	_ =	swait.ge @!p0 [sflag:s0], s1  }
0x2fe: {  	s1 =	ssub.s32 @!p0 $0x0, s1;
	[sflag:s0] =	ssyncset.done @!p0 $0x0  }
0x2ff: {  	[sflag:s0] =	ssyncadd.s32 @!p0 s1  }
0x300: {  	[bflag:$0x3] =	sbarrier.arrive $0xFFFF  }
0x301: {  	_ =	shalt  }

</sc_bundles>
